<compile_context>
chip_gen: v7x
topology: tpu7x:2x2x1
jax: 0.10.2.dev20260603
libtpu: 0.0.44.dev20260713+nightly
codegen_flags: <defaults>
</compile_context>

<pallas_src>
import functools

import jax
import jax.numpy as jnp
from jax import lax
from jax.experimental import pallas as pl
from jax.experimental.pallas import tpu as pltpu
from jax.experimental.pallas import tpu_sc as plsc

_NC = 2
_NS = 16
_NW = _NC * _NS
_L = 16

_B, _T, _D = 128, 1024, 8
_SC_ROWS = 32
_TC_ROWS = _B - _SC_ROWS
_RPW = _SC_ROWS // _NW
_NT = _T // _L
_TC_RB = 16

_MAGIC = 8388608.0


def _decode(x):
    one, half, zero = 1.0, 0.5, 0.0
    D = len(x)

    s = [jnp.where(x[j] >= zero, _MAGIC, -_MAGIC) for j in range(D)]
    f0 = [(x[j] + s[j]) - s[j] for j in range(D)]
    d0 = [x[j] - f0[j] for j in range(D)]
    neg = [d0[j] < zero for j in range(D)]
    negf = [jnp.where(neg[j], one, zero) for j in range(D)]
    t = [half - negf[j] for j in range(D)]
    ad0 = [jnp.abs(d0[j]) for j in range(D)]
    ad1 = [half - ad0[j] for j in range(D)]
    u = [negf[j] * 16.0 + ad0[j] for j in range(D)]
    key0 = [(lax.bitcast_convert_type(ad0[j], jnp.int32) & -8) | (7 - j)
            for j in range(D)]
    key1 = [(lax.bitcast_convert_type(ad1[j], jnp.int32) & -8) | (7 - j)
            for j in range(D)]

    def tree_sum(v):
        a = [v[0] + v[1], v[2] + v[3], v[4] + v[5], v[6] + v[7]]
        b = [a[0] + a[1], a[2] + a[3]]
        return b[0] + b[1]

    def tree_max(v):
        a = [jnp.maximum(v[0], v[1]), jnp.maximum(v[2], v[3]),
             jnp.maximum(v[4], v[5]), jnp.maximum(v[6], v[7])]
        b = [jnp.maximum(a[0], a[1]), jnp.maximum(a[2], a[3])]
        return jnp.maximum(b[0], b[1])

    p0 = tree_sum(f0)
    S = tree_sum(u)
    km0 = tree_max(key0)
    km1 = tree_max(key1)
    cntf = (S * 0.0625).astype(jnp.int32).astype(jnp.float32)
    A = S - cntf * 16.0
    odd0 = (p0.astype(jnp.int32) & 1) == 1
    odd1 = ((p0 - cntf).astype(jnp.int32) & 1) == 1
    m0 = lax.bitcast_convert_type(km0 & -8, jnp.float32)
    m1 = lax.bitcast_convert_type(km1 & -8, jnp.float32)
    c0 = jnp.where(odd0, one - (m0 + m0), zero)
    c1 = jnp.where(odd1, one - (m1 + m1), zero)
    pick0 = (c0 + A) - c1 <= 2.0
    out = []
    for j in range(D):
        sgn = jnp.where(neg[j], -one, one)
        fix0 = (key0[j] == km0) & odd0
        fix1 = (key1[j] == km1) & odd1
        g0 = f0[j] + jnp.where(fix0, sgn, zero)
        out1 = (f0[j] + t[j]) - jnp.where(fix1, sgn, zero)
        out.append(jnp.where(pick0, g0, out1))
    return out



def _e8_sc_body(x_hbm, out_hbm, xv, ov):
    wid = lax.axis_index("s") * _NC + lax.axis_index("c")
    row0 = wid * _RPW
    pltpu.sync_copy(x_hbm.at[pl.ds(row0, _RPW)], xv)

    for b in range(_RPW):
        @plsc.parallel_loop(0, _NT, 1, unroll=2)
        def step(t, b=b):
            t0 = t * _L
            x = [xv[b, j, pl.ds(t0, _L)] for j in range(_D)]
            out = _decode(x)
            for j in range(_D):
                ov[b, j, pl.ds(t0, _L)] = out[j]

    pltpu.sync_copy(ov, out_hbm.at[pl.ds(row0, _RPW)])


_e8_sc = functools.partial(
    pl.kernel,
    out_type=jax.ShapeDtypeStruct((_SC_ROWS, _D, _T), jnp.float32),
    mesh=plsc.VectorSubcoreMesh(core_axis_name="c", subcore_axis_name="s"),
    scratch_types=[
        pltpu.VMEM((_RPW, _D, _T), jnp.float32),
        pltpu.VMEM((_RPW, _D, _T), jnp.float32),
    ],
    compiler_params=pltpu.CompilerParams(needs_layout_passes=False),
)(_e8_sc_body)



def _e8_tc_body(x_ref, o_ref):
    one, half, zero = 1.0, 0.5, 0.0
    x = x_ref[...]
    f0 = jnp.round(x)
    d0 = x - f0
    neg = d0 < zero
    negf = jnp.where(neg, one, zero)
    t = half - negf
    ad0 = jnp.abs(d0)
    ad1 = half - ad0
    u = negf * 16.0 + ad0
    rj = 7 - lax.broadcasted_iota(jnp.int32, x.shape, 1)
    key0 = (lax.bitcast_convert_type(ad0, jnp.int32) & -8) | rj
    key1 = (lax.bitcast_convert_type(ad1, jnp.int32) & -8) | rj
    p0 = jnp.sum(f0, axis=1, keepdims=True)
    S = jnp.sum(u, axis=1, keepdims=True)
    km0 = jnp.max(key0, axis=1, keepdims=True)
    km1 = jnp.max(key1, axis=1, keepdims=True)
    cntf = (S * 0.0625).astype(jnp.int32).astype(jnp.float32)
    A = S - cntf * 16.0
    odd0 = (p0.astype(jnp.int32) & 1) == 1
    odd1 = ((p0 - cntf).astype(jnp.int32) & 1) == 1
    m0 = lax.bitcast_convert_type(km0 & -8, jnp.float32)
    m1 = lax.bitcast_convert_type(km1 & -8, jnp.float32)
    c0 = jnp.where(odd0, one - (m0 + m0), zero)
    c1 = jnp.where(odd1, one - (m1 + m1), zero)
    pick0 = (c0 + A) - c1 <= 2.0
    sgn0 = jnp.where(neg, -one, one)
    fix0 = (key0 == km0) & odd0
    fix1 = (key1 == km1) & odd1
    g0 = f0 + jnp.where(fix0, sgn0, zero)
    out1 = (f0 + t) - jnp.where(fix1, sgn0, zero)
    o_ref[...] = jnp.where(pick0, g0, out1)


_TC_OFF = _SC_ROWS // _TC_RB

_e8_tc = pl.pallas_call(
    _e8_tc_body,
    out_shape=jax.ShapeDtypeStruct((_B, _D, _T), jnp.float32),
    grid=(_TC_ROWS // _TC_RB,),
    in_specs=[pl.BlockSpec((_TC_RB, _D, _T), lambda i: (i + _TC_OFF, 0, 0))],
    out_specs=pl.BlockSpec((_TC_RB, _D, _T), lambda i: (i + _TC_OFF, 0, 0)),
    compiler_params=pltpu.CompilerParams(
        dimension_semantics=("arbitrary",),
    ),
)


@jax.jit
def kernel(x):
    if x.shape[-1] != 8:
        raise ValueError(f"E8 expects [..., 8] input, got shape {x.shape}")
    xt = jnp.transpose(x, (0, 2, 1))
    y_sc = _e8_sc(xt)
    y_tc = _e8_tc(xt)
    y_t = lax.dynamic_update_slice(y_tc, y_sc, (0, 0, 0))
    return jnp.transpose(y_t, (0, 2, 1))

# --- scband reference (transcript-rebuilt; emitter-appended) ---
"""Pipeline reference for scband-cached-e8-quantizer-43224550867084 (READ-ONLY COPY).

The authoritative reference and input builder live on the scoring server;
editing this copy changes nothing except your own understanding.
"""

import jax, jax.numpy as jnp
import numpy as np


def _nearest_d8(x):
    """Nearest point in the D8 lattice (integer vectors with even coordinate sum).

    Round each coordinate; if the rounded sum is odd, flip the coordinate with
    the largest rounding error toward the input (the standard Conway/Sloane
    D_n decoding algorithm).
    """
    f = jnp.round(x)
    diff = x - f
    parity = jnp.mod(jnp.sum(f, axis=-1), 2.0)
    need_fix = parity != 0.0
    abs_diff = jnp.abs(diff)
    idx = jnp.argmax(abs_diff, axis=-1)
    picked_diff = jnp.take_along_axis(diff, idx[..., None], axis=-1)
    sign = jnp.where(picked_diff >= 0.0, 1.0, -1.0)
    onehot = jax.nn.one_hot(idx, x.shape[-1], dtype=x.dtype)
    f_fixed = f + onehot * sign
    return jnp.where(need_fix[..., None], f_fixed, f)


def nearest_e8(x):
    """Nearest point in the E8 lattice: E8 = D8 union (D8 + 1/2).

    Decode to nearest point of each coset and keep the closer one.
    """
    g0 = _nearest_d8(x)
    g1 = _nearest_d8(x - 0.5) + 0.5
    d0 = jnp.sum((x - g0) ** 2, axis=-1)
    d1 = jnp.sum((x - g1) ** 2, axis=-1)
    return jnp.where((d0 <= d1)[..., None], g0, g1)


def setup_inputs(seed: int = 0) -> dict:
    key = jax.random.key(seed)
    x = jax.random.normal(key, (128, 1024, 8), dtype=jnp.float32)
    return {"x": x}


def reference(x):
    # CachedE8Quantizer.forward: the LRU cache stores exact nearest_e8 results
    # (zero quantization error), so the module output is mathematically
    # identical to applying nearest_e8 to every [..., 8] vector.
    if x.shape[-1] != 8:
        raise ValueError(f"E8 expects [..., 8] input, got shape {x.shape}")
    original_shape = x.shape
    x_flat = x.reshape(-1, 8)
    y = nearest_e8(x_flat)
    return y.reshape(original_shape)

if __name__ == "__main__":
    import jax
    _d = setup_inputs()
    print(jax.jit(kernel)(*tuple(_d.values())))

</pallas_src>

<mosaic_0001>
#map = affine_map<(d0, d1) -> (0, 0, 0)>
module attributes {stable_mosaic.version = 14 : i64} {
  func.func @_e8_sc_body(%arg0: i32, %arg1: i32, %arg2: memref<128x8x1024xf32, #tpu.memory_space<hbm>>, %arg3: memref<32x8x1024xf32, #tpu.memory_space<hbm>>, %arg4: memref<1x8x1024xf32, #tpu.memory_space<vmem>>, %arg5: memref<1x8x1024xf32, #tpu.memory_space<vmem>>) attributes {dimension_semantics = [#tpu.dimension_semantics<core_parallel>, #tpu.dimension_semantics<subcore_parallel>], iteration_bounds = array<i64: 2, 16>, scalar_prefetch = 0 : i64, scratch_operands = 2 : i64, tpu.core_type = #tpu.core_type<sc_vector_subcore>, window_params = [{transform_indices = #map}, {transform_indices = #map}]} {
    %mul3A = arith.constant 2 : i32
    %mul3A_0 = arith.muli %arg1, %mul3A : i32
    %add3A = arith.addi %mul3A_0, %arg0 : i32
    %mul3A_1 = arith.constant 1 : i32
    %mul3A_2 = arith.muli %add3A, %mul3A_1 : i32
    "tpu.region"() ({
      %run_scoped3A = tpu.sem_alloc : memref<!tpu.dma_semaphore, #tpu.memory_space<semaphore_mem>>
      %dma_start3A = arith.constant 0 : i32
      %dma_start3A_5 = arith.constant 0 : i32
      %dma_start3A_6 = tpu.memref_slice %arg2[%mul3A_2, %dma_start3A, %dma_start3A_5] : memref<128x8x1024xf32, #tpu.memory_space<hbm>> -> memref<1x8x1024xf32, #tpu.memory_space<hbm>>
      %dma_start3A_7 = arith.constant 0 : i32
      %dma_start3A_8 = arith.constant 0 : i32
      %dma_start3A_9 = tpu.memref_slice %arg2[%mul3A_2, %dma_start3A_7, %dma_start3A_8] : memref<128x8x1024xf32, #tpu.memory_space<hbm>> -> memref<1x8x1024xf32, #tpu.memory_space<hbm>>
      tpu.enqueue_dma source(%dma_start3A_9 : memref<1x8x1024xf32, #tpu.memory_space<hbm>>) target(%arg4 : memref<1x8x1024xf32, #tpu.memory_space<vmem>>) target_semaphore(%run_scoped3A : memref<!tpu.dma_semaphore, #tpu.memory_space<semaphore_mem>>)
      %dma_wait3A = arith.constant 0 : i32
      %dma_wait3A_10 = arith.constant 0 : i32
      %dma_wait3A_11 = tpu.memref_slice %arg2[%mul3A_2, %dma_wait3A, %dma_wait3A_10] : memref<128x8x1024xf32, #tpu.memory_space<hbm>> -> memref<1x8x1024xf32, #tpu.memory_space<hbm>>
      %dma_wait3A_12 = arith.constant 0 : i32
      %dma_wait3A_13 = arith.constant 0 : i32
      %dma_wait3A_14 = tpu.memref_slice %arg2[%mul3A_2, %dma_wait3A_12, %dma_wait3A_13] : memref<128x8x1024xf32, #tpu.memory_space<hbm>> -> memref<1x8x1024xf32, #tpu.memory_space<hbm>>
      tpu.wait_dma2 semaphore(%run_scoped3A : memref<!tpu.dma_semaphore, #tpu.memory_space<semaphore_mem>>) src(%dma_wait3A_14 : memref<1x8x1024xf32, #tpu.memory_space<hbm>>) dst(%arg4 : memref<1x8x1024xf32, #tpu.memory_space<vmem>>)
      tpu.yield
    }) : () -> ()
    %parallel_loop3A = arith.constant 0 : i32
    %parallel_loop3A_3 = arith.constant 64 : i32
    %parallel_loop3A_4 = arith.constant 1 : i32
    scf.for %parallel_loop3A_5 = %parallel_loop3A to %parallel_loop3A_3 step %parallel_loop3A_4  : i32 {
      %parallel_loop3A_6 = arith.constant 16 : i32
      %parallel_loop3A_7 = arith.muli %parallel_loop3A_5, %parallel_loop3A_6 : i32
      %parallel_loop3A_8 = arith.constant 0 : i32
      %parallel_loop3A_9 = arith.constant 0 : i32
      %parallel_loop3A_10 = arith.index_cast %parallel_loop3A_8 : i32 to index
      %parallel_loop3A_11 = arith.index_cast %parallel_loop3A_9 : i32 to index
      %parallel_loop3A_12 = arith.index_cast %parallel_loop3A_7 : i32 to index
      %parallel_loop3A_13 = tpu.vector_load %arg4[%parallel_loop3A_10, %parallel_loop3A_11, %parallel_loop3A_12] {strides = array<i32>} : memref<1x8x1024xf32, #tpu.memory_space<vmem>>, vector<16xf32>,
      %parallel_loop3A_14 = arith.constant 0 : i32
      %parallel_loop3A_15 = arith.constant 1 : i32
      %parallel_loop3A_16 = arith.index_cast %parallel_loop3A_14 : i32 to index
      %parallel_loop3A_17 = arith.index_cast %parallel_loop3A_15 : i32 to index
      %parallel_loop3A_18 = arith.index_cast %parallel_loop3A_7 : i32 to index
      %parallel_loop3A_19 = tpu.vector_load %arg4[%parallel_loop3A_16, %parallel_loop3A_17, %parallel_loop3A_18] {strides = array<i32>} : memref<1x8x1024xf32, #tpu.memory_space<vmem>>, vector<16xf32>,
      %parallel_loop3A_20 = arith.constant 0 : i32
      %parallel_loop3A_21 = arith.constant 2 : i32
      %parallel_loop3A_22 = arith.index_cast %parallel_loop3A_20 : i32 to index
      %parallel_loop3A_23 = arith.index_cast %parallel_loop3A_21 : i32 to index
      %parallel_loop3A_24 = arith.index_cast %parallel_loop3A_7 : i32 to index
      %parallel_loop3A_25 = tpu.vector_load %arg4[%parallel_loop3A_22, %parallel_loop3A_23, %parallel_loop3A_24] {strides = array<i32>} : memref<1x8x1024xf32, #tpu.memory_space<vmem>>, vector<16xf32>,
      %parallel_loop3A_26 = arith.constant 0 : i32
      %parallel_loop3A_27 = arith.constant 3 : i32
      %parallel_loop3A_28 = arith.index_cast %parallel_loop3A_26 : i32 to index
      %parallel_loop3A_29 = arith.index_cast %parallel_loop3A_27 : i32 to index
      %parallel_loop3A_30 = arith.index_cast %parallel_loop3A_7 : i32 to index
      %parallel_loop3A_31 = tpu.vector_load %arg4[%parallel_loop3A_28, %parallel_loop3A_29, %parallel_loop3A_30] {strides = array<i32>} : memref<1x8x1024xf32, #tpu.memory_space<vmem>>, vector<16xf32>,
      %parallel_loop3A_32 = arith.constant 0 : i32
      %parallel_loop3A_33 = arith.constant 4 : i32
      %parallel_loop3A_34 = arith.index_cast %parallel_loop3A_32 : i32 to index
      %parallel_loop3A_35 = arith.index_cast %parallel_loop3A_33 : i32 to index
      %parallel_loop3A_36 = arith.index_cast %parallel_loop3A_7 : i32 to index
      %parallel_loop3A_37 = tpu.vector_load %arg4[%parallel_loop3A_34, %parallel_loop3A_35, %parallel_loop3A_36] {strides = array<i32>} : memref<1x8x1024xf32, #tpu.memory_space<vmem>>, vector<16xf32>,
      %parallel_loop3A_38 = arith.constant 0 : i32
      %parallel_loop3A_39 = arith.constant 5 : i32
      %parallel_loop3A_40 = arith.index_cast %parallel_loop3A_38 : i32 to index
      %parallel_loop3A_41 = arith.index_cast %parallel_loop3A_39 : i32 to index
      %parallel_loop3A_42 = arith.index_cast %parallel_loop3A_7 : i32 to index
      %parallel_loop3A_43 = tpu.vector_load %arg4[%parallel_loop3A_40, %parallel_loop3A_41, %parallel_loop3A_42] {strides = array<i32>} : memref<1x8x1024xf32, #tpu.memory_space<vmem>>, vector<16xf32>,
      %parallel_loop3A_44 = arith.constant 0 : i32
      %parallel_loop3A_45 = arith.constant 6 : i32
      %parallel_loop3A_46 = arith.index_cast %parallel_loop3A_44 : i32 to index
      %parallel_loop3A_47 = arith.index_cast %parallel_loop3A_45 : i32 to index
      %parallel_loop3A_48 = arith.index_cast %parallel_loop3A_7 : i32 to index
      %parallel_loop3A_49 = tpu.vector_load %arg4[%parallel_loop3A_46, %parallel_loop3A_47, %parallel_loop3A_48] {strides = array<i32>} : memref<1x8x1024xf32, #tpu.memory_space<vmem>>, vector<16xf32>,
      %parallel_loop3A_50 = arith.constant 0 : i32
      %parallel_loop3A_51 = arith.constant 7 : i32
      %parallel_loop3A_52 = arith.index_cast %parallel_loop3A_50 : i32 to index
      %parallel_loop3A_53 = arith.index_cast %parallel_loop3A_51 : i32 to index
      %parallel_loop3A_54 = arith.index_cast %parallel_loop3A_7 : i32 to index
      %parallel_loop3A_55 = tpu.vector_load %arg4[%parallel_loop3A_52, %parallel_loop3A_53, %parallel_loop3A_54] {strides = array<i32>} : memref<1x8x1024xf32, #tpu.memory_space<vmem>>, vector<16xf32>,
      %parallel_loop3A_56 = arith.constant 0.000000e+00 : f32
      %parallel_loop3A_57 = vector.broadcast %parallel_loop3A_56 : f32 to vector<16xf32>
      %parallel_loop3A_58 = arith.cmpf oge, %parallel_loop3A_13, %parallel_loop3A_57 : vector<16xf32>
      %parallel_loop3A_59 = arith.constant 0x4B000000 : f32
      %parallel_loop3A_60 = arith.constant 0xCB000000 : f32
      %parallel_loop3A_61 = vector.broadcast %parallel_loop3A_59 : f32 to vector<16xf32>
      %parallel_loop3A_62 = vector.broadcast %parallel_loop3A_60 : f32 to vector<16xf32>
      %parallel_loop3A_63 = arith.select %parallel_loop3A_58, %parallel_loop3A_61, %parallel_loop3A_62 : vector<16xi1>, vector<16xf32>
      %parallel_loop3A_64 = arith.constant 0.000000e+00 : f32
      %parallel_loop3A_65 = vector.broadcast %parallel_loop3A_64 : f32 to vector<16xf32>
      %parallel_loop3A_66 = arith.cmpf oge, %parallel_loop3A_19, %parallel_loop3A_65 : vector<16xf32>
      %parallel_loop3A_67 = arith.constant 0x4B000000 : f32
      %parallel_loop3A_68 = arith.constant 0xCB000000 : f32
      %parallel_loop3A_69 = vector.broadcast %parallel_loop3A_67 : f32 to vector<16xf32>
      %parallel_loop3A_70 = vector.broadcast %parallel_loop3A_68 : f32 to vector<16xf32>
      %parallel_loop3A_71 = arith.select %parallel_loop3A_66, %parallel_loop3A_69, %parallel_loop3A_70 : vector<16xi1>, vector<16xf32>
      %parallel_loop3A_72 = arith.constant 0.000000e+00 : f32
      %parallel_loop3A_73 = vector.broadcast %parallel_loop3A_72 : f32 to vector<16xf32>
      %parallel_loop3A_74 = arith.cmpf oge, %parallel_loop3A_25, %parallel_loop3A_73 : vector<16xf32>
      %parallel_loop3A_75 = arith.constant 0x4B000000 : f32
      %parallel_loop3A_76 = arith.constant 0xCB000000 : f32
      %parallel_loop3A_77 = vector.broadcast %parallel_loop3A_75 : f32 to vector<16xf32>
      %parallel_loop3A_78 = vector.broadcast %parallel_loop3A_76 : f32 to vector<16xf32>
      %parallel_loop3A_79 = arith.select %parallel_loop3A_74, %parallel_loop3A_77, %parallel_loop3A_78 : vector<16xi1>, vector<16xf32>
      %parallel_loop3A_80 = arith.constant 0.000000e+00 : f32
      %parallel_loop3A_81 = vector.broadcast %parallel_loop3A_80 : f32 to vector<16xf32>
      %parallel_loop3A_82 = arith.cmpf oge, %parallel_loop3A_31, %parallel_loop3A_81 : vector<16xf32>
      %parallel_loop3A_83 = arith.constant 0x4B000000 : f32
      %parallel_loop3A_84 = arith.constant 0xCB000000 : f32
      %parallel_loop3A_85 = vector.broadcast %parallel_loop3A_83 : f32 to vector<16xf32>
      %parallel_loop3A_86 = vector.broadcast %parallel_loop3A_84 : f32 to vector<16xf32>
      %parallel_loop3A_87 = arith.select %parallel_loop3A_82, %parallel_loop3A_85, %parallel_loop3A_86 : vector<16xi1>, vector<16xf32>
      %parallel_loop3A_88 = arith.constant 0.000000e+00 : f32
      %parallel_loop3A_89 = vector.broadcast %parallel_loop3A_88 : f32 to vector<16xf32>
      %parallel_loop3A_90 = arith.cmpf oge, %parallel_loop3A_37, %parallel_loop3A_89 : vector<16xf32>
      %parallel_loop3A_91 = arith.constant 0x4B000000 : f32
      %parallel_loop3A_92 = arith.constant 0xCB000000 : f32
      %parallel_loop3A_93 = vector.broadcast %parallel_loop3A_91 : f32 to vector<16xf32>
      %parallel_loop3A_94 = vector.broadcast %parallel_loop3A_92 : f32 to vector<16xf32>
      %parallel_loop3A_95 = arith.select %parallel_loop3A_90, %parallel_loop3A_93, %parallel_loop3A_94 : vector<16xi1>, vector<16xf32>
      %parallel_loop3A_96 = arith.constant 0.000000e+00 : f32
      %parallel_loop3A_97 = vector.broadcast %parallel_loop3A_96 : f32 to vector<16xf32>
      %parallel_loop3A_98 = arith.cmpf oge, %parallel_loop3A_43, %parallel_loop3A_97 : vector<16xf32>
      %parallel_loop3A_99 = arith.constant 0x4B000000 : f32
      %parallel_loop3A_100 = arith.constant 0xCB000000 : f32
      %parallel_loop3A_101 = vector.broadcast %parallel_loop3A_99 : f32 to vector<16xf32>
      %parallel_loop3A_102 = vector.broadcast %parallel_loop3A_100 : f32 to vector<16xf32>
      %parallel_loop3A_103 = arith.select %parallel_loop3A_98, %parallel_loop3A_101, %parallel_loop3A_102 : vector<16xi1>, vector<16xf32>
      %parallel_loop3A_104 = arith.constant 0.000000e+00 : f32
      %parallel_loop3A_105 = vector.broadcast %parallel_loop3A_104 : f32 to vector<16xf32>
      %parallel_loop3A_106 = arith.cmpf oge, %parallel_loop3A_49, %parallel_loop3A_105 : vector<16xf32>
      %parallel_loop3A_107 = arith.constant 0x4B000000 : f32
      %parallel_loop3A_108 = arith.constant 0xCB000000 : f32
      %parallel_loop3A_109 = vector.broadcast %parallel_loop3A_107 : f32 to vector<16xf32>
      %parallel_loop3A_110 = vector.broadcast %parallel_loop3A_108 : f32 to vector<16xf32>
      %parallel_loop3A_111 = arith.select %parallel_loop3A_106, %parallel_loop3A_109, %parallel_loop3A_110 : vector<16xi1>, vector<16xf32>
      %parallel_loop3A_112 = arith.constant 0.000000e+00 : f32
      %parallel_loop3A_113 = vector.broadcast %parallel_loop3A_112 : f32 to vector<16xf32>
      %parallel_loop3A_114 = arith.cmpf oge, %parallel_loop3A_55, %parallel_loop3A_113 : vector<16xf32>
      %parallel_loop3A_115 = arith.constant 0x4B000000 : f32
      %parallel_loop3A_116 = arith.constant 0xCB000000 : f32
      %parallel_loop3A_117 = vector.broadcast %parallel_loop3A_115 : f32 to vector<16xf32>
      %parallel_loop3A_118 = vector.broadcast %parallel_loop3A_116 : f32 to vector<16xf32>
      %parallel_loop3A_119 = arith.select %parallel_loop3A_114, %parallel_loop3A_117, %parallel_loop3A_118 : vector<16xi1>, vector<16xf32>
      %parallel_loop3A_120 = arith.addf %parallel_loop3A_13, %parallel_loop3A_63 : vector<16xf32>
      %parallel_loop3A_121 = arith.subf %parallel_loop3A_120, %parallel_loop3A_63 : vector<16xf32>
      %parallel_loop3A_122 = arith.addf %parallel_loop3A_19, %parallel_loop3A_71 : vector<16xf32>
      %parallel_loop3A_123 = arith.subf %parallel_loop3A_122, %parallel_loop3A_71 : vector<16xf32>
      %parallel_loop3A_124 = arith.addf %parallel_loop3A_25, %parallel_loop3A_79 : vector<16xf32>
      %parallel_loop3A_125 = arith.subf %parallel_loop3A_124, %parallel_loop3A_79 : vector<16xf32>
      %parallel_loop3A_126 = arith.addf %parallel_loop3A_31, %parallel_loop3A_87 : vector<16xf32>
      %parallel_loop3A_127 = arith.subf %parallel_loop3A_126, %parallel_loop3A_87 : vector<16xf32>
      %parallel_loop3A_128 = arith.addf %parallel_loop3A_37, %parallel_loop3A_95 : vector<16xf32>
      %parallel_loop3A_129 = arith.subf %parallel_loop3A_128, %parallel_loop3A_95 : vector<16xf32>
      %parallel_loop3A_130 = arith.addf %parallel_loop3A_43, %parallel_loop3A_103 : vector<16xf32>
      %parallel_loop3A_131 = arith.subf %parallel_loop3A_130, %parallel_loop3A_103 : vector<16xf32>
      %parallel_loop3A_132 = arith.addf %parallel_loop3A_49, %parallel_loop3A_111 : vector<16xf32>
      %parallel_loop3A_133 = arith.subf %parallel_loop3A_132, %parallel_loop3A_111 : vector<16xf32>
      %parallel_loop3A_134 = arith.addf %parallel_loop3A_55, %parallel_loop3A_119 : vector<16xf32>
      %parallel_loop3A_135 = arith.subf %parallel_loop3A_134, %parallel_loop3A_119 : vector<16xf32>
      %parallel_loop3A_136 = arith.subf %parallel_loop3A_13, %parallel_loop3A_121 : vector<16xf32>
      %parallel_loop3A_137 = arith.subf %parallel_loop3A_19, %parallel_loop3A_123 : vector<16xf32>
      %parallel_loop3A_138 = arith.subf %parallel_loop3A_25, %parallel_loop3A_125 : vector<16xf32>
      %parallel_loop3A_139 = arith.subf %parallel_loop3A_31, %parallel_loop3A_127 : vector<16xf32>
      %parallel_loop3A_140 = arith.subf %parallel_loop3A_37, %parallel_loop3A_129 : vector<16xf32>
      %parallel_loop3A_141 = arith.subf %parallel_loop3A_43, %parallel_loop3A_131 : vector<16xf32>
      %parallel_loop3A_142 = arith.subf %parallel_loop3A_49, %parallel_loop3A_133 : vector<16xf32>
      %parallel_loop3A_143 = arith.subf %parallel_loop3A_55, %parallel_loop3A_135 : vector<16xf32>
      %parallel_loop3A_144 = arith.constant 0.000000e+00 : f32
      %parallel_loop3A_145 = vector.broadcast %parallel_loop3A_144 : f32 to vector<16xf32>
      %parallel_loop3A_146 = arith.cmpf olt, %parallel_loop3A_136, %parallel_loop3A_145 : vector<16xf32>
      %parallel_loop3A_147 = arith.constant 0.000000e+00 : f32
      %parallel_loop3A_148 = vector.broadcast %parallel_loop3A_147 : f32 to vector<16xf32>
      %parallel_loop3A_149 = arith.cmpf olt, %parallel_loop3A_137, %parallel_loop3A_148 : vector<16xf32>
      %parallel_loop3A_150 = arith.constant 0.000000e+00 : f32
      %parallel_loop3A_151 = vector.broadcast %parallel_loop3A_150 : f32 to vector<16xf32>
      %parallel_loop3A_152 = arith.cmpf olt, %parallel_loop3A_138, %parallel_loop3A_151 : vector<16xf32>
      %parallel_loop3A_153 = arith.constant 0.000000e+00 : f32
      %parallel_loop3A_154 = vector.broadcast %parallel_loop3A_153 : f32 to vector<16xf32>
      %parallel_loop3A_155 = arith.cmpf olt, %parallel_loop3A_139, %parallel_loop3A_154 : vector<16xf32>
      %parallel_loop3A_156 = arith.constant 0.000000e+00 : f32
      %parallel_loop3A_157 = vector.broadcast %parallel_loop3A_156 : f32 to vector<16xf32>
      %parallel_loop3A_158 = arith.cmpf olt, %parallel_loop3A_140, %parallel_loop3A_157 : vector<16xf32>
      %parallel_loop3A_159 = arith.constant 0.000000e+00 : f32
      %parallel_loop3A_160 = vector.broadcast %parallel_loop3A_159 : f32 to vector<16xf32>
      %parallel_loop3A_161 = arith.cmpf olt, %parallel_loop3A_141, %parallel_loop3A_160 : vector<16xf32>
      %parallel_loop3A_162 = arith.constant 0.000000e+00 : f32
      %parallel_loop3A_163 = vector.broadcast %parallel_loop3A_162 : f32 to vector<16xf32>
      %parallel_loop3A_164 = arith.cmpf olt, %parallel_loop3A_142, %parallel_loop3A_163 : vector<16xf32>
      %parallel_loop3A_165 = arith.constant 0.000000e+00 : f32
      %parallel_loop3A_166 = vector.broadcast %parallel_loop3A_165 : f32 to vector<16xf32>
      %parallel_loop3A_167 = arith.cmpf olt, %parallel_loop3A_143, %parallel_loop3A_166 : vector<16xf32>
      %parallel_loop3A_168 = arith.constant 1.000000e+00 : f32
      %parallel_loop3A_169 = arith.constant 0.000000e+00 : f32
      %parallel_loop3A_170 = vector.broadcast %parallel_loop3A_168 : f32 to vector<16xf32>
      %parallel_loop3A_171 = vector.broadcast %parallel_loop3A_169 : f32 to vector<16xf32>
      %parallel_loop3A_172 = arith.select %parallel_loop3A_146, %parallel_loop3A_170, %parallel_loop3A_171 : vector<16xi1>, vector<16xf32>
      %parallel_loop3A_173 = arith.constant 1.000000e+00 : f32
      %parallel_loop3A_174 = arith.constant 0.000000e+00 : f32
      %parallel_loop3A_175 = vector.broadcast %parallel_loop3A_173 : f32 to vector<16xf32>
      %parallel_loop3A_176 = vector.broadcast %parallel_loop3A_174 : f32 to vector<16xf32>
      %parallel_loop3A_177 = arith.select %parallel_loop3A_149, %parallel_loop3A_175, %parallel_loop3A_176 : vector<16xi1>, vector<16xf32>
      %parallel_loop3A_178 = arith.constant 1.000000e+00 : f32
      %parallel_loop3A_179 = arith.constant 0.000000e+00 : f32
      %parallel_loop3A_180 = vector.broadcast %parallel_loop3A_178 : f32 to vector<16xf32>
      %parallel_loop3A_181 = vector.broadcast %parallel_loop3A_179 : f32 to vector<16xf32>
      %parallel_loop3A_182 = arith.select %parallel_loop3A_152, %parallel_loop3A_180, %parallel_loop3A_181 : vector<16xi1>, vector<16xf32>
      %parallel_loop3A_183 = arith.constant 1.000000e+00 : f32
      %parallel_loop3A_184 = arith.constant 0.000000e+00 : f32
      %parallel_loop3A_185 = vector.broadcast %parallel_loop3A_183 : f32 to vector<16xf32>
      %parallel_loop3A_186 = vector.broadcast %parallel_loop3A_184 : f32 to vector<16xf32>
      %parallel_loop3A_187 = arith.select %parallel_loop3A_155, %parallel_loop3A_185, %parallel_loop3A_186 : vector<16xi1>, vector<16xf32>
      %parallel_loop3A_188 = arith.constant 1.000000e+00 : f32
      %parallel_loop3A_189 = arith.constant 0.000000e+00 : f32
      %parallel_loop3A_190 = vector.broadcast %parallel_loop3A_188 : f32 to vector<16xf32>
      %parallel_loop3A_191 = vector.broadcast %parallel_loop3A_189 : f32 to vector<16xf32>
      %parallel_loop3A_192 = arith.select %parallel_loop3A_158, %parallel_loop3A_190, %parallel_loop3A_191 : vector<16xi1>, vector<16xf32>
      %parallel_loop3A_193 = arith.constant 1.000000e+00 : f32
      %parallel_loop3A_194 = arith.constant 0.000000e+00 : f32
      %parallel_loop3A_195 = vector.broadcast %parallel_loop3A_193 : f32 to vector<16xf32>
      %parallel_loop3A_196 = vector.broadcast %parallel_loop3A_194 : f32 to vector<16xf32>
      %parallel_loop3A_197 = arith.select %parallel_loop3A_161, %parallel_loop3A_195, %parallel_loop3A_196 : vector<16xi1>, vector<16xf32>
      %parallel_loop3A_198 = arith.constant 1.000000e+00 : f32
      %parallel_loop3A_199 = arith.constant 0.000000e+00 : f32
      %parallel_loop3A_200 = vector.broadcast %parallel_loop3A_198 : f32 to vector<16xf32>
      %parallel_loop3A_201 = vector.broadcast %parallel_loop3A_199 : f32 to vector<16xf32>
      %parallel_loop3A_202 = arith.select %parallel_loop3A_164, %parallel_loop3A_200, %parallel_loop3A_201 : vector<16xi1>, vector<16xf32>
      %parallel_loop3A_203 = arith.constant 1.000000e+00 : f32
      %parallel_loop3A_204 = arith.constant 0.000000e+00 : f32
      %parallel_loop3A_205 = vector.broadcast %parallel_loop3A_203 : f32 to vector<16xf32>
      %parallel_loop3A_206 = vector.broadcast %parallel_loop3A_204 : f32 to vector<16xf32>
      %parallel_loop3A_207 = arith.select %parallel_loop3A_167, %parallel_loop3A_205, %parallel_loop3A_206 : vector<16xi1>, vector<16xf32>
      %parallel_loop3A_208 = arith.constant 5.000000e-01 : f32
      %parallel_loop3A_209 = vector.broadcast %parallel_loop3A_208 : f32 to vector<16xf32>
      %parallel_loop3A_210 = arith.subf %parallel_loop3A_209, %parallel_loop3A_172 : vector<16xf32>
      %parallel_loop3A_211 = arith.constant 5.000000e-01 : f32
      %parallel_loop3A_212 = vector.broadcast %parallel_loop3A_211 : f32 to vector<16xf32>
      %parallel_loop3A_213 = arith.subf %parallel_loop3A_212, %parallel_loop3A_177 : vector<16xf32>
      %parallel_loop3A_214 = arith.constant 5.000000e-01 : f32
      %parallel_loop3A_215 = vector.broadcast %parallel_loop3A_214 : f32 to vector<16xf32>
      %parallel_loop3A_216 = arith.subf %parallel_loop3A_215, %parallel_loop3A_182 : vector<16xf32>
      %parallel_loop3A_217 = arith.constant 5.000000e-01 : f32
      %parallel_loop3A_218 = vector.broadcast %parallel_loop3A_217 : f32 to vector<16xf32>
      %parallel_loop3A_219 = arith.subf %parallel_loop3A_218, %parallel_loop3A_187 : vector<16xf32>
      %parallel_loop3A_220 = arith.constant 5.000000e-01 : f32
      %parallel_loop3A_221 = vector.broadcast %parallel_loop3A_220 : f32 to vector<16xf32>
      %parallel_loop3A_222 = arith.subf %parallel_loop3A_221, %parallel_loop3A_192 : vector<16xf32>
      %parallel_loop3A_223 = arith.constant 5.000000e-01 : f32
      %parallel_loop3A_224 = vector.broadcast %parallel_loop3A_223 : f32 to vector<16xf32>
      %parallel_loop3A_225 = arith.subf %parallel_loop3A_224, %parallel_loop3A_197 : vector<16xf32>
      %parallel_loop3A_226 = arith.constant 5.000000e-01 : f32
      %parallel_loop3A_227 = vector.broadcast %parallel_loop3A_226 : f32 to vector<16xf32>
      %parallel_loop3A_228 = arith.subf %parallel_loop3A_227, %parallel_loop3A_202 : vector<16xf32>
      %parallel_loop3A_229 = arith.constant 5.000000e-01 : f32
      %parallel_loop3A_230 = vector.broadcast %parallel_loop3A_229 : f32 to vector<16xf32>
      %parallel_loop3A_231 = arith.subf %parallel_loop3A_230, %parallel_loop3A_207 : vector<16xf32>
      %parallel_loop3A_232 = math.absf %parallel_loop3A_136 : vector<16xf32>
      %parallel_loop3A_233 = math.absf %parallel_loop3A_137 : vector<16xf32>
      %parallel_loop3A_234 = math.absf %parallel_loop3A_138 : vector<16xf32>
      %parallel_loop3A_235 = math.absf %parallel_loop3A_139 : vector<16xf32>
      %parallel_loop3A_236 = math.absf %parallel_loop3A_140 : vector<16xf32>
      %parallel_loop3A_237 = math.absf %parallel_loop3A_141 : vector<16xf32>
      %parallel_loop3A_238 = math.absf %parallel_loop3A_142 : vector<16xf32>
      %parallel_loop3A_239 = math.absf %parallel_loop3A_143 : vector<16xf32>
      %parallel_loop3A_240 = arith.constant 5.000000e-01 : f32
      %parallel_loop3A_241 = vector.broadcast %parallel_loop3A_240 : f32 to vector<16xf32>
      %parallel_loop3A_242 = arith.subf %parallel_loop3A_241, %parallel_loop3A_232 : vector<16xf32>
      %parallel_loop3A_243 = arith.constant 5.000000e-01 : f32
      %parallel_loop3A_244 = vector.broadcast %parallel_loop3A_243 : f32 to vector<16xf32>
      %parallel_loop3A_245 = arith.subf %parallel_loop3A_244, %parallel_loop3A_233 : vector<16xf32>
      %parallel_loop3A_246 = arith.constant 5.000000e-01 : f32
      %parallel_loop3A_247 = vector.broadcast %parallel_loop3A_246 : f32 to vector<16xf32>
      %parallel_loop3A_248 = arith.subf %parallel_loop3A_247, %parallel_loop3A_234 : vector<16xf32>
      %parallel_loop3A_249 = arith.constant 5.000000e-01 : f32
      %parallel_loop3A_250 = vector.broadcast %parallel_loop3A_249 : f32 to vector<16xf32>
      %parallel_loop3A_251 = arith.subf %parallel_loop3A_250, %parallel_loop3A_235 : vector<16xf32>
      %parallel_loop3A_252 = arith.constant 5.000000e-01 : f32
      %parallel_loop3A_253 = vector.broadcast %parallel_loop3A_252 : f32 to vector<16xf32>
      %parallel_loop3A_254 = arith.subf %parallel_loop3A_253, %parallel_loop3A_236 : vector<16xf32>
      %parallel_loop3A_255 = arith.constant 5.000000e-01 : f32
      %parallel_loop3A_256 = vector.broadcast %parallel_loop3A_255 : f32 to vector<16xf32>
      %parallel_loop3A_257 = arith.subf %parallel_loop3A_256, %parallel_loop3A_237 : vector<16xf32>
      %parallel_loop3A_258 = arith.constant 5.000000e-01 : f32
      %parallel_loop3A_259 = vector.broadcast %parallel_loop3A_258 : f32 to vector<16xf32>
      %parallel_loop3A_260 = arith.subf %parallel_loop3A_259, %parallel_loop3A_238 : vector<16xf32>
      %parallel_loop3A_261 = arith.constant 5.000000e-01 : f32
      %parallel_loop3A_262 = vector.broadcast %parallel_loop3A_261 : f32 to vector<16xf32>
      %parallel_loop3A_263 = arith.subf %parallel_loop3A_262, %parallel_loop3A_239 : vector<16xf32>
      %parallel_loop3A_264 = arith.constant 1.600000e+01 : f32
      %parallel_loop3A_265 = vector.broadcast %parallel_loop3A_264 : f32 to vector<16xf32>
      %parallel_loop3A_266 = arith.mulf %parallel_loop3A_172, %parallel_loop3A_265 : vector<16xf32>
      %parallel_loop3A_267 = arith.addf %parallel_loop3A_266, %parallel_loop3A_232 : vector<16xf32>
      %parallel_loop3A_268 = arith.constant 1.600000e+01 : f32
      %parallel_loop3A_269 = vector.broadcast %parallel_loop3A_268 : f32 to vector<16xf32>
      %parallel_loop3A_270 = arith.mulf %parallel_loop3A_177, %parallel_loop3A_269 : vector<16xf32>
      %parallel_loop3A_271 = arith.addf %parallel_loop3A_270, %parallel_loop3A_233 : vector<16xf32>
      %parallel_loop3A_272 = arith.constant 1.600000e+01 : f32
      %parallel_loop3A_273 = vector.broadcast %parallel_loop3A_272 : f32 to vector<16xf32>
      %parallel_loop3A_274 = arith.mulf %parallel_loop3A_182, %parallel_loop3A_273 : vector<16xf32>
      %parallel_loop3A_275 = arith.addf %parallel_loop3A_274, %parallel_loop3A_234 : vector<16xf32>
      %parallel_loop3A_276 = arith.constant 1.600000e+01 : f32
      %parallel_loop3A_277 = vector.broadcast %parallel_loop3A_276 : f32 to vector<16xf32>
      %parallel_loop3A_278 = arith.mulf %parallel_loop3A_187, %parallel_loop3A_277 : vector<16xf32>
      %parallel_loop3A_279 = arith.addf %parallel_loop3A_278, %parallel_loop3A_235 : vector<16xf32>
      %parallel_loop3A_280 = arith.constant 1.600000e+01 : f32
      %parallel_loop3A_281 = vector.broadcast %parallel_loop3A_280 : f32 to vector<16xf32>
      %parallel_loop3A_282 = arith.mulf %parallel_loop3A_192, %parallel_loop3A_281 : vector<16xf32>
      %parallel_loop3A_283 = arith.addf %parallel_loop3A_282, %parallel_loop3A_236 : vector<16xf32>
      %parallel_loop3A_284 = arith.constant 1.600000e+01 : f32
      %parallel_loop3A_285 = vector.broadcast %parallel_loop3A_284 : f32 to vector<16xf32>
      %parallel_loop3A_286 = arith.mulf %parallel_loop3A_197, %parallel_loop3A_285 : vector<16xf32>
      %parallel_loop3A_287 = arith.addf %parallel_loop3A_286, %parallel_loop3A_237 : vector<16xf32>
      %parallel_loop3A_288 = arith.constant 1.600000e+01 : f32
      %parallel_loop3A_289 = vector.broadcast %parallel_loop3A_288 : f32 to vector<16xf32>
      %parallel_loop3A_290 = arith.mulf %parallel_loop3A_202, %parallel_loop3A_289 : vector<16xf32>
      %parallel_loop3A_291 = arith.addf %parallel_loop3A_290, %parallel_loop3A_238 : vector<16xf32>
      %parallel_loop3A_292 = arith.constant 1.600000e+01 : f32
      %parallel_loop3A_293 = vector.broadcast %parallel_loop3A_292 : f32 to vector<16xf32>
      %parallel_loop3A_294 = arith.mulf %parallel_loop3A_207, %parallel_loop3A_293 : vector<16xf32>
      %parallel_loop3A_295 = arith.addf %parallel_loop3A_294, %parallel_loop3A_239 : vector<16xf32>
      %parallel_loop3A_296 = tpu.bitcast %parallel_loop3A_232 : vector<16xf32> -> vector<16xi32>
      %parallel_loop3A_297 = arith.constant -8 : i32
      %parallel_loop3A_298 = vector.broadcast %parallel_loop3A_297 : i32 to vector<16xi32>
      %parallel_loop3A_299 = arith.andi %parallel_loop3A_296, %parallel_loop3A_298 : vector<16xi32>
      %parallel_loop3A_300 = arith.constant 7 : i32
      %parallel_loop3A_301 = vector.broadcast %parallel_loop3A_300 : i32 to vector<16xi32>
      %parallel_loop3A_302 = arith.ori %parallel_loop3A_299, %parallel_loop3A_301 : vector<16xi32>
      %parallel_loop3A_303 = tpu.bitcast %parallel_loop3A_233 : vector<16xf32> -> vector<16xi32>
      %parallel_loop3A_304 = arith.constant -8 : i32
      %parallel_loop3A_305 = vector.broadcast %parallel_loop3A_304 : i32 to vector<16xi32>
      %parallel_loop3A_306 = arith.andi %parallel_loop3A_303, %parallel_loop3A_305 : vector<16xi32>
      %parallel_loop3A_307 = arith.constant 6 : i32
      %parallel_loop3A_308 = vector.broadcast %parallel_loop3A_307 : i32 to vector<16xi32>
      %parallel_loop3A_309 = arith.ori %parallel_loop3A_306, %parallel_loop3A_308 : vector<16xi32>
      %parallel_loop3A_310 = tpu.bitcast %parallel_loop3A_234 : vector<16xf32> -> vector<16xi32>
      %parallel_loop3A_311 = arith.constant -8 : i32
      %parallel_loop3A_312 = vector.broadcast %parallel_loop3A_311 : i32 to vector<16xi32>
      %parallel_loop3A_313 = arith.andi %parallel_loop3A_310, %parallel_loop3A_312 : vector<16xi32>
      %parallel_loop3A_314 = arith.constant 5 : i32
      %parallel_loop3A_315 = vector.broadcast %parallel_loop3A_314 : i32 to vector<16xi32>
      %parallel_loop3A_316 = arith.ori %parallel_loop3A_313, %parallel_loop3A_315 : vector<16xi32>
      %parallel_loop3A_317 = tpu.bitcast %parallel_loop3A_235 : vector<16xf32> -> vector<16xi32>
      %parallel_loop3A_318 = arith.constant -8 : i32
      %parallel_loop3A_319 = vector.broadcast %parallel_loop3A_318 : i32 to vector<16xi32>
      %parallel_loop3A_320 = arith.andi %parallel_loop3A_317, %parallel_loop3A_319 : vector<16xi32>
      %parallel_loop3A_321 = arith.constant 4 : i32
      %parallel_loop3A_322 = vector.broadcast %parallel_loop3A_321 : i32 to vector<16xi32>
      %parallel_loop3A_323 = arith.ori %parallel_loop3A_320, %parallel_loop3A_322 : vector<16xi32>
      %parallel_loop3A_324 = tpu.bitcast %parallel_loop3A_236 : vector<16xf32> -> vector<16xi32>
      %parallel_loop3A_325 = arith.constant -8 : i32
      %parallel_loop3A_326 = vector.broadcast %parallel_loop3A_325 : i32 to vector<16xi32>
      %parallel_loop3A_327 = arith.andi %parallel_loop3A_324, %parallel_loop3A_326 : vector<16xi32>
      %parallel_loop3A_328 = arith.constant 3 : i32
      %parallel_loop3A_329 = vector.broadcast %parallel_loop3A_328 : i32 to vector<16xi32>
      %parallel_loop3A_330 = arith.ori %parallel_loop3A_327, %parallel_loop3A_329 : vector<16xi32>
      %parallel_loop3A_331 = tpu.bitcast %parallel_loop3A_237 : vector<16xf32> -> vector<16xi32>
      %parallel_loop3A_332 = arith.constant -8 : i32
      %parallel_loop3A_333 = vector.broadcast %parallel_loop3A_332 : i32 to vector<16xi32>
      %parallel_loop3A_334 = arith.andi %parallel_loop3A_331, %parallel_loop3A_333 : vector<16xi32>
      %parallel_loop3A_335 = arith.constant 2 : i32
      %parallel_loop3A_336 = vector.broadcast %parallel_loop3A_335 : i32 to vector<16xi32>
      %parallel_loop3A_337 = arith.ori %parallel_loop3A_334, %parallel_loop3A_336 : vector<16xi32>
      %parallel_loop3A_338 = tpu.bitcast %parallel_loop3A_238 : vector<16xf32> -> vector<16xi32>
      %parallel_loop3A_339 = arith.constant -8 : i32
      %parallel_loop3A_340 = vector.broadcast %parallel_loop3A_339 : i32 to vector<16xi32>
      %parallel_loop3A_341 = arith.andi %parallel_loop3A_338, %parallel_loop3A_340 : vector<16xi32>
      %parallel_loop3A_342 = arith.constant 1 : i32
      %parallel_loop3A_343 = vector.broadcast %parallel_loop3A_342 : i32 to vector<16xi32>
      %parallel_loop3A_344 = arith.ori %parallel_loop3A_341, %parallel_loop3A_343 : vector<16xi32>
      %parallel_loop3A_345 = tpu.bitcast %parallel_loop3A_239 : vector<16xf32> -> vector<16xi32>
      %parallel_loop3A_346 = arith.constant -8 : i32
      %parallel_loop3A_347 = vector.broadcast %parallel_loop3A_346 : i32 to vector<16xi32>
      %parallel_loop3A_348 = arith.andi %parallel_loop3A_345, %parallel_loop3A_347 : vector<16xi32>
      %parallel_loop3A_349 = arith.constant 0 : i32
      %parallel_loop3A_350 = vector.broadcast %parallel_loop3A_349 : i32 to vector<16xi32>
      %parallel_loop3A_351 = arith.ori %parallel_loop3A_348, %parallel_loop3A_350 : vector<16xi32>
      %parallel_loop3A_352 = tpu.bitcast %parallel_loop3A_242 : vector<16xf32> -> vector<16xi32>
      %parallel_loop3A_353 = arith.constant -8 : i32
      %parallel_loop3A_354 = vector.broadcast %parallel_loop3A_353 : i32 to vector<16xi32>
      %parallel_loop3A_355 = arith.andi %parallel_loop3A_352, %parallel_loop3A_354 : vector<16xi32>
      %parallel_loop3A_356 = arith.constant 7 : i32
      %parallel_loop3A_357 = vector.broadcast %parallel_loop3A_356 : i32 to vector<16xi32>
      %parallel_loop3A_358 = arith.ori %parallel_loop3A_355, %parallel_loop3A_357 : vector<16xi32>
      %parallel_loop3A_359 = tpu.bitcast %parallel_loop3A_245 : vector<16xf32> -> vector<16xi32>
      %parallel_loop3A_360 = arith.constant -8 : i32
      %parallel_loop3A_361 = vector.broadcast %parallel_loop3A_360 : i32 to vector<16xi32>
      %parallel_loop3A_362 = arith.andi %parallel_loop3A_359, %parallel_loop3A_361 : vector<16xi32>
      %parallel_loop3A_363 = arith.constant 6 : i32
      %parallel_loop3A_364 = vector.broadcast %parallel_loop3A_363 : i32 to vector<16xi32>
      %parallel_loop3A_365 = arith.ori %parallel_loop3A_362, %parallel_loop3A_364 : vector<16xi32>
      %parallel_loop3A_366 = tpu.bitcast %parallel_loop3A_248 : vector<16xf32> -> vector<16xi32>
      %parallel_loop3A_367 = arith.constant -8 : i32
      %parallel_loop3A_368 = vector.broadcast %parallel_loop3A_367 : i32 to vector<16xi32>
      %parallel_loop3A_369 = arith.andi %parallel_loop3A_366, %parallel_loop3A_368 : vector<16xi32>
      %parallel_loop3A_370 = arith.constant 5 : i32
      %parallel_loop3A_371 = vector.broadcast %parallel_loop3A_370 : i32 to vector<16xi32>
      %parallel_loop3A_372 = arith.ori %parallel_loop3A_369, %parallel_loop3A_371 : vector<16xi32>
      %parallel_loop3A_373 = tpu.bitcast %parallel_loop3A_251 : vector<16xf32> -> vector<16xi32>
      %parallel_loop3A_374 = arith.constant -8 : i32
      %parallel_loop3A_375 = vector.broadcast %parallel_loop3A_374 : i32 to vector<16xi32>
      %parallel_loop3A_376 = arith.andi %parallel_loop3A_373, %parallel_loop3A_375 : vector<16xi32>
      %parallel_loop3A_377 = arith.constant 4 : i32
      %parallel_loop3A_378 = vector.broadcast %parallel_loop3A_377 : i32 to vector<16xi32>
      %parallel_loop3A_379 = arith.ori %parallel_loop3A_376, %parallel_loop3A_378 : vector<16xi32>
      %parallel_loop3A_380 = tpu.bitcast %parallel_loop3A_254 : vector<16xf32> -> vector<16xi32>
      %parallel_loop3A_381 = arith.constant -8 : i32
      %parallel_loop3A_382 = vector.broadcast %parallel_loop3A_381 : i32 to vector<16xi32>
      %parallel_loop3A_383 = arith.andi %parallel_loop3A_380, %parallel_loop3A_382 : vector<16xi32>
      %parallel_loop3A_384 = arith.constant 3 : i32
      %parallel_loop3A_385 = vector.broadcast %parallel_loop3A_384 : i32 to vector<16xi32>
      %parallel_loop3A_386 = arith.ori %parallel_loop3A_383, %parallel_loop3A_385 : vector<16xi32>
      %parallel_loop3A_387 = tpu.bitcast %parallel_loop3A_257 : vector<16xf32> -> vector<16xi32>
      %parallel_loop3A_388 = arith.constant -8 : i32
      %parallel_loop3A_389 = vector.broadcast %parallel_loop3A_388 : i32 to vector<16xi32>
      %parallel_loop3A_390 = arith.andi %parallel_loop3A_387, %parallel_loop3A_389 : vector<16xi32>
      %parallel_loop3A_391 = arith.constant 2 : i32
      %parallel_loop3A_392 = vector.broadcast %parallel_loop3A_391 : i32 to vector<16xi32>
      %parallel_loop3A_393 = arith.ori %parallel_loop3A_390, %parallel_loop3A_392 : vector<16xi32>
      %parallel_loop3A_394 = tpu.bitcast %parallel_loop3A_260 : vector<16xf32> -> vector<16xi32>
      %parallel_loop3A_395 = arith.constant -8 : i32
      %parallel_loop3A_396 = vector.broadcast %parallel_loop3A_395 : i32 to vector<16xi32>
      %parallel_loop3A_397 = arith.andi %parallel_loop3A_394, %parallel_loop3A_396 : vector<16xi32>
      %parallel_loop3A_398 = arith.constant 1 : i32
      %parallel_loop3A_399 = vector.broadcast %parallel_loop3A_398 : i32 to vector<16xi32>
      %parallel_loop3A_400 = arith.ori %parallel_loop3A_397, %parallel_loop3A_399 : vector<16xi32>
      %parallel_loop3A_401 = tpu.bitcast %parallel_loop3A_263 : vector<16xf32> -> vector<16xi32>
      %parallel_loop3A_402 = arith.constant -8 : i32
      %parallel_loop3A_403 = vector.broadcast %parallel_loop3A_402 : i32 to vector<16xi32>
      %parallel_loop3A_404 = arith.andi %parallel_loop3A_401, %parallel_loop3A_403 : vector<16xi32>
      %parallel_loop3A_405 = arith.constant 0 : i32
      %parallel_loop3A_406 = vector.broadcast %parallel_loop3A_405 : i32 to vector<16xi32>
      %parallel_loop3A_407 = arith.ori %parallel_loop3A_404, %parallel_loop3A_406 : vector<16xi32>
      %parallel_loop3A_408 = arith.addf %parallel_loop3A_121, %parallel_loop3A_123 : vector<16xf32>
      %parallel_loop3A_409 = arith.addf %parallel_loop3A_125, %parallel_loop3A_127 : vector<16xf32>
      %parallel_loop3A_410 = arith.addf %parallel_loop3A_129, %parallel_loop3A_131 : vector<16xf32>
      %parallel_loop3A_411 = arith.addf %parallel_loop3A_133, %parallel_loop3A_135 : vector<16xf32>
      %parallel_loop3A_412 = arith.addf %parallel_loop3A_408, %parallel_loop3A_409 : vector<16xf32>
      %parallel_loop3A_413 = arith.addf %parallel_loop3A_410, %parallel_loop3A_411 : vector<16xf32>
      %parallel_loop3A_414 = arith.addf %parallel_loop3A_412, %parallel_loop3A_413 : vector<16xf32>
      %parallel_loop3A_415 = arith.addf %parallel_loop3A_267, %parallel_loop3A_271 : vector<16xf32>
      %parallel_loop3A_416 = arith.addf %parallel_loop3A_275, %parallel_loop3A_279 : vector<16xf32>
      %parallel_loop3A_417 = arith.addf %parallel_loop3A_283, %parallel_loop3A_287 : vector<16xf32>
      %parallel_loop3A_418 = arith.addf %parallel_loop3A_291, %parallel_loop3A_295 : vector<16xf32>
      %parallel_loop3A_419 = arith.addf %parallel_loop3A_415, %parallel_loop3A_416 : vector<16xf32>
      %parallel_loop3A_420 = arith.addf %parallel_loop3A_417, %parallel_loop3A_418 : vector<16xf32>
      %parallel_loop3A_421 = arith.addf %parallel_loop3A_419, %parallel_loop3A_420 : vector<16xf32>
      %parallel_loop3A_422 = arith.maxsi %parallel_loop3A_302, %parallel_loop3A_309 : vector<16xi32>
      %parallel_loop3A_423 = arith.maxsi %parallel_loop3A_316, %parallel_loop3A_323 : vector<16xi32>
      %parallel_loop3A_424 = arith.maxsi %parallel_loop3A_330, %parallel_loop3A_337 : vector<16xi32>
      %parallel_loop3A_425 = arith.maxsi %parallel_loop3A_344, %parallel_loop3A_351 : vector<16xi32>
      %parallel_loop3A_426 = arith.maxsi %parallel_loop3A_422, %parallel_loop3A_423 : vector<16xi32>
      %parallel_loop3A_427 = arith.maxsi %parallel_loop3A_424, %parallel_loop3A_425 : vector<16xi32>
      %parallel_loop3A_428 = arith.maxsi %parallel_loop3A_426, %parallel_loop3A_427 : vector<16xi32>
      %parallel_loop3A_429 = arith.maxsi %parallel_loop3A_358, %parallel_loop3A_365 : vector<16xi32>
      %parallel_loop3A_430 = arith.maxsi %parallel_loop3A_372, %parallel_loop3A_379 : vector<16xi32>
      %parallel_loop3A_431 = arith.maxsi %parallel_loop3A_386, %parallel_loop3A_393 : vector<16xi32>
      %parallel_loop3A_432 = arith.maxsi %parallel_loop3A_400, %parallel_loop3A_407 : vector<16xi32>
      %parallel_loop3A_433 = arith.maxsi %parallel_loop3A_429, %parallel_loop3A_430 : vector<16xi32>
      %parallel_loop3A_434 = arith.maxsi %parallel_loop3A_431, %parallel_loop3A_432 : vector<16xi32>
      %parallel_loop3A_435 = arith.maxsi %parallel_loop3A_433, %parallel_loop3A_434 : vector<16xi32>
      %parallel_loop3A_436 = arith.constant 6.250000e-02 : f32
      %parallel_loop3A_437 = vector.broadcast %parallel_loop3A_436 : f32 to vector<16xf32>
      %parallel_loop3A_438 = arith.mulf %parallel_loop3A_421, %parallel_loop3A_437 : vector<16xf32>
      %parallel_loop3A_439 = arith.fptosi %parallel_loop3A_438 : vector<16xf32> to vector<16xi32>
      %parallel_loop3A_440 = arith.sitofp %parallel_loop3A_439 : vector<16xi32> to vector<16xf32>
      %parallel_loop3A_441 = arith.constant 1.600000e+01 : f32
      %parallel_loop3A_442 = vector.broadcast %parallel_loop3A_441 : f32 to vector<16xf32>
      %parallel_loop3A_443 = arith.mulf %parallel_loop3A_440, %parallel_loop3A_442 : vector<16xf32>
      %parallel_loop3A_444 = arith.subf %parallel_loop3A_421, %parallel_loop3A_443 : vector<16xf32>
      %parallel_loop3A_445 = arith.fptosi %parallel_loop3A_414 : vector<16xf32> to vector<16xi32>
      %parallel_loop3A_446 = arith.constant 1 : i32
      %parallel_loop3A_447 = vector.broadcast %parallel_loop3A_446 : i32 to vector<16xi32>
      %parallel_loop3A_448 = arith.andi %parallel_loop3A_445, %parallel_loop3A_447 : vector<16xi32>
      %parallel_loop3A_449 = arith.constant 1 : i32
      %parallel_loop3A_450 = vector.broadcast %parallel_loop3A_449 : i32 to vector<16xi32>
      %parallel_loop3A_451 = arith.cmpi eq, %parallel_loop3A_448, %parallel_loop3A_450 : vector<16xi32>
      %parallel_loop3A_452 = arith.subf %parallel_loop3A_414, %parallel_loop3A_440 : vector<16xf32>
      %parallel_loop3A_453 = arith.fptosi %parallel_loop3A_452 : vector<16xf32> to vector<16xi32>
      %parallel_loop3A_454 = arith.constant 1 : i32
      %parallel_loop3A_455 = vector.broadcast %parallel_loop3A_454 : i32 to vector<16xi32>
      %parallel_loop3A_456 = arith.andi %parallel_loop3A_453, %parallel_loop3A_455 : vector<16xi32>
      %parallel_loop3A_457 = arith.constant 1 : i32
      %parallel_loop3A_458 = vector.broadcast %parallel_loop3A_457 : i32 to vector<16xi32>
      %parallel_loop3A_459 = arith.cmpi eq, %parallel_loop3A_456, %parallel_loop3A_458 : vector<16xi32>
      %parallel_loop3A_460 = arith.constant -8 : i32
      %parallel_loop3A_461 = vector.broadcast %parallel_loop3A_460 : i32 to vector<16xi32>
      %parallel_loop3A_462 = arith.andi %parallel_loop3A_428, %parallel_loop3A_461 : vector<16xi32>
      %parallel_loop3A_463 = tpu.bitcast %parallel_loop3A_462 : vector<16xi32> -> vector<16xf32>
      %parallel_loop3A_464 = arith.constant -8 : i32
      %parallel_loop3A_465 = vector.broadcast %parallel_loop3A_464 : i32 to vector<16xi32>
      %parallel_loop3A_466 = arith.andi %parallel_loop3A_435, %parallel_loop3A_465 : vector<16xi32>
      %parallel_loop3A_467 = tpu.bitcast %parallel_loop3A_466 : vector<16xi32> -> vector<16xf32>
      %parallel_loop3A_468 = arith.addf %parallel_loop3A_463, %parallel_loop3A_463 : vector<16xf32>
      %parallel_loop3A_469 = arith.constant 1.000000e+00 : f32
      %parallel_loop3A_470 = vector.broadcast %parallel_loop3A_469 : f32 to vector<16xf32>
      %parallel_loop3A_471 = arith.subf %parallel_loop3A_470, %parallel_loop3A_468 : vector<16xf32>
      %parallel_loop3A_472 = arith.constant 0.000000e+00 : f32
      %parallel_loop3A_473 = vector.broadcast %parallel_loop3A_472 : f32 to vector<16xf32>
      %parallel_loop3A_474 = arith.select %parallel_loop3A_451, %parallel_loop3A_471, %parallel_loop3A_473 : vector<16xi1>, vector<16xf32>
      %parallel_loop3A_475 = arith.addf %parallel_loop3A_467, %parallel_loop3A_467 : vector<16xf32>
      %parallel_loop3A_476 = arith.constant 1.000000e+00 : f32
      %parallel_loop3A_477 = vector.broadcast %parallel_loop3A_476 : f32 to vector<16xf32>
      %parallel_loop3A_478 = arith.subf %parallel_loop3A_477, %parallel_loop3A_475 : vector<16xf32>
      %parallel_loop3A_479 = arith.constant 0.000000e+00 : f32
      %parallel_loop3A_480 = vector.broadcast %parallel_loop3A_479 : f32 to vector<16xf32>
      %parallel_loop3A_481 = arith.select %parallel_loop3A_459, %parallel_loop3A_478, %parallel_loop3A_480 : vector<16xi1>, vector<16xf32>
      %parallel_loop3A_482 = arith.addf %parallel_loop3A_474, %parallel_loop3A_444 : vector<16xf32>
      %parallel_loop3A_483 = arith.subf %parallel_loop3A_482, %parallel_loop3A_481 : vector<16xf32>
      %parallel_loop3A_484 = arith.constant 2.000000e+00 : f32
      %parallel_loop3A_485 = vector.broadcast %parallel_loop3A_484 : f32 to vector<16xf32>
      %parallel_loop3A_486 = arith.cmpf ole, %parallel_loop3A_483, %parallel_loop3A_485 : vector<16xf32>
      %parallel_loop3A_487 = arith.constant -1.000000e+00 : f32
      %parallel_loop3A_488 = arith.constant 1.000000e+00 : f32
      %parallel_loop3A_489 = vector.broadcast %parallel_loop3A_487 : f32 to vector<16xf32>
      %parallel_loop3A_490 = vector.broadcast %parallel_loop3A_488 : f32 to vector<16xf32>
      %parallel_loop3A_491 = arith.select %parallel_loop3A_146, %parallel_loop3A_489, %parallel_loop3A_490 : vector<16xi1>, vector<16xf32>
      %parallel_loop3A_492 = arith.cmpi eq, %parallel_loop3A_302, %parallel_loop3A_428 : vector<16xi32>
      %parallel_loop3A_493 = arith.andi %parallel_loop3A_492, %parallel_loop3A_451 : vector<16xi1>
      %parallel_loop3A_494 = arith.cmpi eq, %parallel_loop3A_358, %parallel_loop3A_435 : vector<16xi32>
      %parallel_loop3A_495 = arith.andi %parallel_loop3A_494, %parallel_loop3A_459 : vector<16xi1>
      %parallel_loop3A_496 = arith.constant 0.000000e+00 : f32
      %parallel_loop3A_497 = vector.broadcast %parallel_loop3A_496 : f32 to vector<16xf32>
      %parallel_loop3A_498 = arith.select %parallel_loop3A_493, %parallel_loop3A_491, %parallel_loop3A_497 : vector<16xi1>, vector<16xf32>
      %parallel_loop3A_499 = arith.addf %parallel_loop3A_121, %parallel_loop3A_498 : vector<16xf32>
      %parallel_loop3A_500 = arith.addf %parallel_loop3A_121, %parallel_loop3A_210 : vector<16xf32>
      %parallel_loop3A_501 = arith.constant 0.000000e+00 : f32
      %parallel_loop3A_502 = vector.broadcast %parallel_loop3A_501 : f32 to vector<16xf32>
      %parallel_loop3A_503 = arith.select %parallel_loop3A_495, %parallel_loop3A_491, %parallel_loop3A_502 : vector<16xi1>, vector<16xf32>
      %parallel_loop3A_504 = arith.subf %parallel_loop3A_500, %parallel_loop3A_503 : vector<16xf32>
      %parallel_loop3A_505 = arith.select %parallel_loop3A_486, %parallel_loop3A_499, %parallel_loop3A_504 : vector<16xi1>, vector<16xf32>
      %parallel_loop3A_506 = arith.constant -1.000000e+00 : f32
      %parallel_loop3A_507 = arith.constant 1.000000e+00 : f32
      %parallel_loop3A_508 = vector.broadcast %parallel_loop3A_506 : f32 to vector<16xf32>
      %parallel_loop3A_509 = vector.broadcast %parallel_loop3A_507 : f32 to vector<16xf32>
      %parallel_loop3A_510 = arith.select %parallel_loop3A_149, %parallel_loop3A_508, %parallel_loop3A_509 : vector<16xi1>, vector<16xf32>
      %parallel_loop3A_511 = arith.cmpi eq, %parallel_loop3A_309, %parallel_loop3A_428 : vector<16xi32>
      %parallel_loop3A_512 = arith.andi %parallel_loop3A_511, %parallel_loop3A_451 : vector<16xi1>
      %parallel_loop3A_513 = arith.cmpi eq, %parallel_loop3A_365, %parallel_loop3A_435 : vector<16xi32>
      %parallel_loop3A_514 = arith.andi %parallel_loop3A_513, %parallel_loop3A_459 : vector<16xi1>
      %parallel_loop3A_515 = arith.constant 0.000000e+00 : f32
      %parallel_loop3A_516 = vector.broadcast %parallel_loop3A_515 : f32 to vector<16xf32>
      %parallel_loop3A_517 = arith.select %parallel_loop3A_512, %parallel_loop3A_510, %parallel_loop3A_516 : vector<16xi1>, vector<16xf32>
      %parallel_loop3A_518 = arith.addf %parallel_loop3A_123, %parallel_loop3A_517 : vector<16xf32>
      %parallel_loop3A_519 = arith.addf %parallel_loop3A_123, %parallel_loop3A_213 : vector<16xf32>
      %parallel_loop3A_520 = arith.constant 0.000000e+00 : f32
      %parallel_loop3A_521 = vector.broadcast %parallel_loop3A_520 : f32 to vector<16xf32>
      %parallel_loop3A_522 = arith.select %parallel_loop3A_514, %parallel_loop3A_510, %parallel_loop3A_521 : vector<16xi1>, vector<16xf32>
      %parallel_loop3A_523 = arith.subf %parallel_loop3A_519, %parallel_loop3A_522 : vector<16xf32>
      %parallel_loop3A_524 = arith.select %parallel_loop3A_486, %parallel_loop3A_518, %parallel_loop3A_523 : vector<16xi1>, vector<16xf32>
      %parallel_loop3A_525 = arith.constant -1.000000e+00 : f32
      %parallel_loop3A_526 = arith.constant 1.000000e+00 : f32
      %parallel_loop3A_527 = vector.broadcast %parallel_loop3A_525 : f32 to vector<16xf32>
      %parallel_loop3A_528 = vector.broadcast %parallel_loop3A_526 : f32 to vector<16xf32>
      %parallel_loop3A_529 = arith.select %parallel_loop3A_152, %parallel_loop3A_527, %parallel_loop3A_528 : vector<16xi1>, vector<16xf32>
      %parallel_loop3A_530 = arith.cmpi eq, %parallel_loop3A_316, %parallel_loop3A_428 : vector<16xi32>
      %parallel_loop3A_531 = arith.andi %parallel_loop3A_530, %parallel_loop3A_451 : vector<16xi1>
      %parallel_loop3A_532 = arith.cmpi eq, %parallel_loop3A_372, %parallel_loop3A_435 : vector<16xi32>
      %parallel_loop3A_533 = arith.andi %parallel_loop3A_532, %parallel_loop3A_459 : vector<16xi1>
      %parallel_loop3A_534 = arith.constant 0.000000e+00 : f32
      %parallel_loop3A_535 = vector.broadcast %parallel_loop3A_534 : f32 to vector<16xf32>
      %parallel_loop3A_536 = arith.select %parallel_loop3A_531, %parallel_loop3A_529, %parallel_loop3A_535 : vector<16xi1>, vector<16xf32>
      %parallel_loop3A_537 = arith.addf %parallel_loop3A_125, %parallel_loop3A_536 : vector<16xf32>
      %parallel_loop3A_538 = arith.addf %parallel_loop3A_125, %parallel_loop3A_216 : vector<16xf32>
      %parallel_loop3A_539 = arith.constant 0.000000e+00 : f32
      %parallel_loop3A_540 = vector.broadcast %parallel_loop3A_539 : f32 to vector<16xf32>
      %parallel_loop3A_541 = arith.select %parallel_loop3A_533, %parallel_loop3A_529, %parallel_loop3A_540 : vector<16xi1>, vector<16xf32>
      %parallel_loop3A_542 = arith.subf %parallel_loop3A_538, %parallel_loop3A_541 : vector<16xf32>
      %parallel_loop3A_543 = arith.select %parallel_loop3A_486, %parallel_loop3A_537, %parallel_loop3A_542 : vector<16xi1>, vector<16xf32>
      %parallel_loop3A_544 = arith.constant -1.000000e+00 : f32
      %parallel_loop3A_545 = arith.constant 1.000000e+00 : f32
      %parallel_loop3A_546 = vector.broadcast %parallel_loop3A_544 : f32 to vector<16xf32>
      %parallel_loop3A_547 = vector.broadcast %parallel_loop3A_545 : f32 to vector<16xf32>
      %parallel_loop3A_548 = arith.select %parallel_loop3A_155, %parallel_loop3A_546, %parallel_loop3A_547 : vector<16xi1>, vector<16xf32>
      %parallel_loop3A_549 = arith.cmpi eq, %parallel_loop3A_323, %parallel_loop3A_428 : vector<16xi32>
      %parallel_loop3A_550 = arith.andi %parallel_loop3A_549, %parallel_loop3A_451 : vector<16xi1>
      %parallel_loop3A_551 = arith.cmpi eq, %parallel_loop3A_379, %parallel_loop3A_435 : vector<16xi32>
      %parallel_loop3A_552 = arith.andi %parallel_loop3A_551, %parallel_loop3A_459 : vector<16xi1>
      %parallel_loop3A_553 = arith.constant 0.000000e+00 : f32
      %parallel_loop3A_554 = vector.broadcast %parallel_loop3A_553 : f32 to vector<16xf32>
      %parallel_loop3A_555 = arith.select %parallel_loop3A_550, %parallel_loop3A_548, %parallel_loop3A_554 : vector<16xi1>, vector<16xf32>
      %parallel_loop3A_556 = arith.addf %parallel_loop3A_127, %parallel_loop3A_555 : vector<16xf32>
      %parallel_loop3A_557 = arith.addf %parallel_loop3A_127, %parallel_loop3A_219 : vector<16xf32>
      %parallel_loop3A_558 = arith.constant 0.000000e+00 : f32
      %parallel_loop3A_559 = vector.broadcast %parallel_loop3A_558 : f32 to vector<16xf32>
      %parallel_loop3A_560 = arith.select %parallel_loop3A_552, %parallel_loop3A_548, %parallel_loop3A_559 : vector<16xi1>, vector<16xf32>
      %parallel_loop3A_561 = arith.subf %parallel_loop3A_557, %parallel_loop3A_560 : vector<16xf32>
      %parallel_loop3A_562 = arith.select %parallel_loop3A_486, %parallel_loop3A_556, %parallel_loop3A_561 : vector<16xi1>, vector<16xf32>
      %parallel_loop3A_563 = arith.constant -1.000000e+00 : f32
      %parallel_loop3A_564 = arith.constant 1.000000e+00 : f32
      %parallel_loop3A_565 = vector.broadcast %parallel_loop3A_563 : f32 to vector<16xf32>
      %parallel_loop3A_566 = vector.broadcast %parallel_loop3A_564 : f32 to vector<16xf32>
      %parallel_loop3A_567 = arith.select %parallel_loop3A_158, %parallel_loop3A_565, %parallel_loop3A_566 : vector<16xi1>, vector<16xf32>
      %parallel_loop3A_568 = arith.cmpi eq, %parallel_loop3A_330, %parallel_loop3A_428 : vector<16xi32>
      %parallel_loop3A_569 = arith.andi %parallel_loop3A_568, %parallel_loop3A_451 : vector<16xi1>
      %parallel_loop3A_570 = arith.cmpi eq, %parallel_loop3A_386, %parallel_loop3A_435 : vector<16xi32>
      %parallel_loop3A_571 = arith.andi %parallel_loop3A_570, %parallel_loop3A_459 : vector<16xi1>
      %parallel_loop3A_572 = arith.constant 0.000000e+00 : f32
      %parallel_loop3A_573 = vector.broadcast %parallel_loop3A_572 : f32 to vector<16xf32>
      %parallel_loop3A_574 = arith.select %parallel_loop3A_569, %parallel_loop3A_567, %parallel_loop3A_573 : vector<16xi1>, vector<16xf32>
      %parallel_loop3A_575 = arith.addf %parallel_loop3A_129, %parallel_loop3A_574 : vector<16xf32>
      %parallel_loop3A_576 = arith.addf %parallel_loop3A_129, %parallel_loop3A_222 : vector<16xf32>
      %parallel_loop3A_577 = arith.constant 0.000000e+00 : f32
      %parallel_loop3A_578 = vector.broadcast %parallel_loop3A_577 : f32 to vector<16xf32>
      %parallel_loop3A_579 = arith.select %parallel_loop3A_571, %parallel_loop3A_567, %parallel_loop3A_578 : vector<16xi1>, vector<16xf32>
      %parallel_loop3A_580 = arith.subf %parallel_loop3A_576, %parallel_loop3A_579 : vector<16xf32>
      %parallel_loop3A_581 = arith.select %parallel_loop3A_486, %parallel_loop3A_575, %parallel_loop3A_580 : vector<16xi1>, vector<16xf32>
      %parallel_loop3A_582 = arith.constant -1.000000e+00 : f32
      %parallel_loop3A_583 = arith.constant 1.000000e+00 : f32
      %parallel_loop3A_584 = vector.broadcast %parallel_loop3A_582 : f32 to vector<16xf32>
      %parallel_loop3A_585 = vector.broadcast %parallel_loop3A_583 : f32 to vector<16xf32>
      %parallel_loop3A_586 = arith.select %parallel_loop3A_161, %parallel_loop3A_584, %parallel_loop3A_585 : vector<16xi1>, vector<16xf32>
      %parallel_loop3A_587 = arith.cmpi eq, %parallel_loop3A_337, %parallel_loop3A_428 : vector<16xi32>
      %parallel_loop3A_588 = arith.andi %parallel_loop3A_587, %parallel_loop3A_451 : vector<16xi1>
      %parallel_loop3A_589 = arith.cmpi eq, %parallel_loop3A_393, %parallel_loop3A_435 : vector<16xi32>
      %parallel_loop3A_590 = arith.andi %parallel_loop3A_589, %parallel_loop3A_459 : vector<16xi1>
      %parallel_loop3A_591 = arith.constant 0.000000e+00 : f32
      %parallel_loop3A_592 = vector.broadcast %parallel_loop3A_591 : f32 to vector<16xf32>
      %parallel_loop3A_593 = arith.select %parallel_loop3A_588, %parallel_loop3A_586, %parallel_loop3A_592 : vector<16xi1>, vector<16xf32>
      %parallel_loop3A_594 = arith.addf %parallel_loop3A_131, %parallel_loop3A_593 : vector<16xf32>
      %parallel_loop3A_595 = arith.addf %parallel_loop3A_131, %parallel_loop3A_225 : vector<16xf32>
      %parallel_loop3A_596 = arith.constant 0.000000e+00 : f32
      %parallel_loop3A_597 = vector.broadcast %parallel_loop3A_596 : f32 to vector<16xf32>
      %parallel_loop3A_598 = arith.select %parallel_loop3A_590, %parallel_loop3A_586, %parallel_loop3A_597 : vector<16xi1>, vector<16xf32>
      %parallel_loop3A_599 = arith.subf %parallel_loop3A_595, %parallel_loop3A_598 : vector<16xf32>
      %parallel_loop3A_600 = arith.select %parallel_loop3A_486, %parallel_loop3A_594, %parallel_loop3A_599 : vector<16xi1>, vector<16xf32>
      %parallel_loop3A_601 = arith.constant -1.000000e+00 : f32
      %parallel_loop3A_602 = arith.constant 1.000000e+00 : f32
      %parallel_loop3A_603 = vector.broadcast %parallel_loop3A_601 : f32 to vector<16xf32>
      %parallel_loop3A_604 = vector.broadcast %parallel_loop3A_602 : f32 to vector<16xf32>
      %parallel_loop3A_605 = arith.select %parallel_loop3A_164, %parallel_loop3A_603, %parallel_loop3A_604 : vector<16xi1>, vector<16xf32>
      %parallel_loop3A_606 = arith.cmpi eq, %parallel_loop3A_344, %parallel_loop3A_428 : vector<16xi32>
      %parallel_loop3A_607 = arith.andi %parallel_loop3A_606, %parallel_loop3A_451 : vector<16xi1>
      %parallel_loop3A_608 = arith.cmpi eq, %parallel_loop3A_400, %parallel_loop3A_435 : vector<16xi32>
      %parallel_loop3A_609 = arith.andi %parallel_loop3A_608, %parallel_loop3A_459 : vector<16xi1>
      %parallel_loop3A_610 = arith.constant 0.000000e+00 : f32
      %parallel_loop3A_611 = vector.broadcast %parallel_loop3A_610 : f32 to vector<16xf32>
      %parallel_loop3A_612 = arith.select %parallel_loop3A_607, %parallel_loop3A_605, %parallel_loop3A_611 : vector<16xi1>, vector<16xf32>
      %parallel_loop3A_613 = arith.addf %parallel_loop3A_133, %parallel_loop3A_612 : vector<16xf32>
      %parallel_loop3A_614 = arith.addf %parallel_loop3A_133, %parallel_loop3A_228 : vector<16xf32>
      %parallel_loop3A_615 = arith.constant 0.000000e+00 : f32
      %parallel_loop3A_616 = vector.broadcast %parallel_loop3A_615 : f32 to vector<16xf32>
      %parallel_loop3A_617 = arith.select %parallel_loop3A_609, %parallel_loop3A_605, %parallel_loop3A_616 : vector<16xi1>, vector<16xf32>
      %parallel_loop3A_618 = arith.subf %parallel_loop3A_614, %parallel_loop3A_617 : vector<16xf32>
      %parallel_loop3A_619 = arith.select %parallel_loop3A_486, %parallel_loop3A_613, %parallel_loop3A_618 : vector<16xi1>, vector<16xf32>
      %parallel_loop3A_620 = arith.constant -1.000000e+00 : f32
      %parallel_loop3A_621 = arith.constant 1.000000e+00 : f32
      %parallel_loop3A_622 = vector.broadcast %parallel_loop3A_620 : f32 to vector<16xf32>
      %parallel_loop3A_623 = vector.broadcast %parallel_loop3A_621 : f32 to vector<16xf32>
      %parallel_loop3A_624 = arith.select %parallel_loop3A_167, %parallel_loop3A_622, %parallel_loop3A_623 : vector<16xi1>, vector<16xf32>
      %parallel_loop3A_625 = arith.cmpi eq, %parallel_loop3A_351, %parallel_loop3A_428 : vector<16xi32>
      %parallel_loop3A_626 = arith.andi %parallel_loop3A_625, %parallel_loop3A_451 : vector<16xi1>
      %parallel_loop3A_627 = arith.cmpi eq, %parallel_loop3A_407, %parallel_loop3A_435 : vector<16xi32>
      %parallel_loop3A_628 = arith.andi %parallel_loop3A_627, %parallel_loop3A_459 : vector<16xi1>
      %parallel_loop3A_629 = arith.constant 0.000000e+00 : f32
      %parallel_loop3A_630 = vector.broadcast %parallel_loop3A_629 : f32 to vector<16xf32>
      %parallel_loop3A_631 = arith.select %parallel_loop3A_626, %parallel_loop3A_624, %parallel_loop3A_630 : vector<16xi1>, vector<16xf32>
      %parallel_loop3A_632 = arith.addf %parallel_loop3A_135, %parallel_loop3A_631 : vector<16xf32>
      %parallel_loop3A_633 = arith.addf %parallel_loop3A_135, %parallel_loop3A_231 : vector<16xf32>
      %parallel_loop3A_634 = arith.constant 0.000000e+00 : f32
      %parallel_loop3A_635 = vector.broadcast %parallel_loop3A_634 : f32 to vector<16xf32>
      %parallel_loop3A_636 = arith.select %parallel_loop3A_628, %parallel_loop3A_624, %parallel_loop3A_635 : vector<16xi1>, vector<16xf32>
      %parallel_loop3A_637 = arith.subf %parallel_loop3A_633, %parallel_loop3A_636 : vector<16xf32>
      %parallel_loop3A_638 = arith.select %parallel_loop3A_486, %parallel_loop3A_632, %parallel_loop3A_637 : vector<16xi1>, vector<16xf32>
      %parallel_loop3A_639 = arith.constant 0 : i32
      %parallel_loop3A_640 = arith.constant 0 : i32
      %parallel_loop3A_641 = arith.index_cast %parallel_loop3A_639 : i32 to index
      %parallel_loop3A_642 = arith.index_cast %parallel_loop3A_640 : i32 to index
      %parallel_loop3A_643 = arith.index_cast %parallel_loop3A_7 : i32 to index
      %parallel_loop3A_644 = tpu.vector_load %arg5[%parallel_loop3A_641, %parallel_loop3A_642, %parallel_loop3A_643] {strides = array<i32>} : memref<1x8x1024xf32, #tpu.memory_space<vmem>>, vector<16xf32>,
      tpu.vector_store %arg5[%parallel_loop3A_641, %parallel_loop3A_642, %parallel_loop3A_643], %parallel_loop3A_505 {strides = array<i32>} : memref<1x8x1024xf32, #tpu.memory_space<vmem>>, vector<16xf32>,
      %parallel_loop3A_645 = arith.constant 0 : i32
      %parallel_loop3A_646 = arith.constant 1 : i32
      %parallel_loop3A_647 = arith.index_cast %parallel_loop3A_645 : i32 to index
      %parallel_loop3A_648 = arith.index_cast %parallel_loop3A_646 : i32 to index
      %parallel_loop3A_649 = arith.index_cast %parallel_loop3A_7 : i32 to index
      %parallel_loop3A_650 = tpu.vector_load %arg5[%parallel_loop3A_647, %parallel_loop3A_648, %parallel_loop3A_649] {strides = array<i32>} : memref<1x8x1024xf32, #tpu.memory_space<vmem>>, vector<16xf32>,
      tpu.vector_store %arg5[%parallel_loop3A_647, %parallel_loop3A_648, %parallel_loop3A_649], %parallel_loop3A_524 {strides = array<i32>} : memref<1x8x1024xf32, #tpu.memory_space<vmem>>, vector<16xf32>,
      %parallel_loop3A_651 = arith.constant 0 : i32
      %parallel_loop3A_652 = arith.constant 2 : i32
      %parallel_loop3A_653 = arith.index_cast %parallel_loop3A_651 : i32 to index
      %parallel_loop3A_654 = arith.index_cast %parallel_loop3A_652 : i32 to index
      %parallel_loop3A_655 = arith.index_cast %parallel_loop3A_7 : i32 to index
      %parallel_loop3A_656 = tpu.vector_load %arg5[%parallel_loop3A_653, %parallel_loop3A_654, %parallel_loop3A_655] {strides = array<i32>} : memref<1x8x1024xf32, #tpu.memory_space<vmem>>, vector<16xf32>,
      tpu.vector_store %arg5[%parallel_loop3A_653, %parallel_loop3A_654, %parallel_loop3A_655], %parallel_loop3A_543 {strides = array<i32>} : memref<1x8x1024xf32, #tpu.memory_space<vmem>>, vector<16xf32>,
      %parallel_loop3A_657 = arith.constant 0 : i32
      %parallel_loop3A_658 = arith.constant 3 : i32
      %parallel_loop3A_659 = arith.index_cast %parallel_loop3A_657 : i32 to index
      %parallel_loop3A_660 = arith.index_cast %parallel_loop3A_658 : i32 to index
      %parallel_loop3A_661 = arith.index_cast %parallel_loop3A_7 : i32 to index
      %parallel_loop3A_662 = tpu.vector_load %arg5[%parallel_loop3A_659, %parallel_loop3A_660, %parallel_loop3A_661] {strides = array<i32>} : memref<1x8x1024xf32, #tpu.memory_space<vmem>>, vector<16xf32>,
      tpu.vector_store %arg5[%parallel_loop3A_659, %parallel_loop3A_660, %parallel_loop3A_661], %parallel_loop3A_562 {strides = array<i32>} : memref<1x8x1024xf32, #tpu.memory_space<vmem>>, vector<16xf32>,
      %parallel_loop3A_663 = arith.constant 0 : i32
      %parallel_loop3A_664 = arith.constant 4 : i32
      %parallel_loop3A_665 = arith.index_cast %parallel_loop3A_663 : i32 to index
      %parallel_loop3A_666 = arith.index_cast %parallel_loop3A_664 : i32 to index
      %parallel_loop3A_667 = arith.index_cast %parallel_loop3A_7 : i32 to index
      %parallel_loop3A_668 = tpu.vector_load %arg5[%parallel_loop3A_665, %parallel_loop3A_666, %parallel_loop3A_667] {strides = array<i32>} : memref<1x8x1024xf32, #tpu.memory_space<vmem>>, vector<16xf32>,
      tpu.vector_store %arg5[%parallel_loop3A_665, %parallel_loop3A_666, %parallel_loop3A_667], %parallel_loop3A_581 {strides = array<i32>} : memref<1x8x1024xf32, #tpu.memory_space<vmem>>, vector<16xf32>,
      %parallel_loop3A_669 = arith.constant 0 : i32
      %parallel_loop3A_670 = arith.constant 5 : i32
      %parallel_loop3A_671 = arith.index_cast %parallel_loop3A_669 : i32 to index
      %parallel_loop3A_672 = arith.index_cast %parallel_loop3A_670 : i32 to index
      %parallel_loop3A_673 = arith.index_cast %parallel_loop3A_7 : i32 to index
      %parallel_loop3A_674 = tpu.vector_load %arg5[%parallel_loop3A_671, %parallel_loop3A_672, %parallel_loop3A_673] {strides = array<i32>} : memref<1x8x1024xf32, #tpu.memory_space<vmem>>, vector<16xf32>,
      tpu.vector_store %arg5[%parallel_loop3A_671, %parallel_loop3A_672, %parallel_loop3A_673], %parallel_loop3A_600 {strides = array<i32>} : memref<1x8x1024xf32, #tpu.memory_space<vmem>>, vector<16xf32>,
      %parallel_loop3A_675 = arith.constant 0 : i32
      %parallel_loop3A_676 = arith.constant 6 : i32
      %parallel_loop3A_677 = arith.index_cast %parallel_loop3A_675 : i32 to index
      %parallel_loop3A_678 = arith.index_cast %parallel_loop3A_676 : i32 to index
      %parallel_loop3A_679 = arith.index_cast %parallel_loop3A_7 : i32 to index
      %parallel_loop3A_680 = tpu.vector_load %arg5[%parallel_loop3A_677, %parallel_loop3A_678, %parallel_loop3A_679] {strides = array<i32>} : memref<1x8x1024xf32, #tpu.memory_space<vmem>>, vector<16xf32>,
      tpu.vector_store %arg5[%parallel_loop3A_677, %parallel_loop3A_678, %parallel_loop3A_679], %parallel_loop3A_619 {strides = array<i32>} : memref<1x8x1024xf32, #tpu.memory_space<vmem>>, vector<16xf32>,
      %parallel_loop3A_681 = arith.constant 0 : i32
      %parallel_loop3A_682 = arith.constant 7 : i32
      %parallel_loop3A_683 = arith.index_cast %parallel_loop3A_681 : i32 to index
      %parallel_loop3A_684 = arith.index_cast %parallel_loop3A_682 : i32 to index
      %parallel_loop3A_685 = arith.index_cast %parallel_loop3A_7 : i32 to index
      %parallel_loop3A_686 = tpu.vector_load %arg5[%parallel_loop3A_683, %parallel_loop3A_684, %parallel_loop3A_685] {strides = array<i32>} : memref<1x8x1024xf32, #tpu.memory_space<vmem>>, vector<16xf32>,
      tpu.vector_store %arg5[%parallel_loop3A_683, %parallel_loop3A_684, %parallel_loop3A_685], %parallel_loop3A_638 {strides = array<i32>} : memref<1x8x1024xf32, #tpu.memory_space<vmem>>, vector<16xf32>,
    } {sc.loop_unroll_factor = 2 : i64, sc.parallel_access}
    "tpu.region"() ({
      %run_scoped3A = tpu.sem_alloc : memref<!tpu.dma_semaphore, #tpu.memory_space<semaphore_mem>>
      %dma_start3A = arith.constant 0 : i32
      %dma_start3A_5 = arith.constant 0 : i32
      %dma_start3A_6 = tpu.memref_slice %arg3[%mul3A_2, %dma_start3A, %dma_start3A_5] : memref<32x8x1024xf32, #tpu.memory_space<hbm>> -> memref<1x8x1024xf32, #tpu.memory_space<hbm>>
      %dma_start3A_7 = arith.constant 0 : i32
      %dma_start3A_8 = arith.constant 0 : i32
      %dma_start3A_9 = tpu.memref_slice %arg3[%mul3A_2, %dma_start3A_7, %dma_start3A_8] : memref<32x8x1024xf32, #tpu.memory_space<hbm>> -> memref<1x8x1024xf32, #tpu.memory_space<hbm>>
      tpu.enqueue_dma source(%arg5 : memref<1x8x1024xf32, #tpu.memory_space<vmem>>) target(%dma_start3A_9 : memref<1x8x1024xf32, #tpu.memory_space<hbm>>) target_semaphore(%run_scoped3A : memref<!tpu.dma_semaphore, #tpu.memory_space<semaphore_mem>>)
      %dma_wait3A = arith.constant 0 : i32
      %dma_wait3A_10 = arith.constant 0 : i32
      %dma_wait3A_11 = tpu.memref_slice %arg3[%mul3A_2, %dma_wait3A, %dma_wait3A_10] : memref<32x8x1024xf32, #tpu.memory_space<hbm>> -> memref<1x8x1024xf32, #tpu.memory_space<hbm>>
      %dma_wait3A_12 = arith.constant 0 : i32
      %dma_wait3A_13 = arith.constant 0 : i32
      %dma_wait3A_14 = tpu.memref_slice %arg3[%mul3A_2, %dma_wait3A_12, %dma_wait3A_13] : memref<32x8x1024xf32, #tpu.memory_space<hbm>> -> memref<1x8x1024xf32, #tpu.memory_space<hbm>>
      tpu.wait_dma2 semaphore(%run_scoped3A : memref<!tpu.dma_semaphore, #tpu.memory_space<semaphore_mem>>) src(%arg5 : memref<1x8x1024xf32, #tpu.memory_space<vmem>>) dst(%dma_wait3A_14 : memref<1x8x1024xf32, #tpu.memory_space<hbm>>)
      tpu.yield
    }) : () -> ()
    return
  }
}

module attributes {stable_mosaic.version = 14 : i64} {
  func.func @_e8_tc_body(%arg0: i32, %arg1: memref<16x8x1024xf32, #tpu.memory_space<vmem>>, %arg2: memref<16x8x1024xf32, #tpu.memory_space<vmem>>) attributes {dimension_semantics = [#tpu.dimension_semantics<arbitrary>], iteration_bounds = array<i64: 6>, scalar_prefetch = 0 : i64, scratch_operands = 0 : i64, tpu.core_type = #tpu.core_type<tc>, window_params = [{transform_indices = @transform_0, window_bounds = array<i64: 16, 8, 1024>}, {transform_indices = @transform_1, window_bounds = array<i64: 16, 8, 1024>}]} {
    %get3A = arith.constant 0 : index
    %get3A_0 = arith.constant 0 : index
    %get3A_1 = arith.constant 0 : index
    %get3A_2 = vector.load %arg1[%get3A, %get3A_0, %get3A_1] : memref<16x8x1024xf32, #tpu.memory_space<vmem>>, vector<16x8x1024xf32>
    %round3A = math.roundeven %get3A_2 : vector<16x8x1024xf32>
    %sub3A = arith.subf %get3A_2, %round3A : vector<16x8x1024xf32>
    %lt3A = arith.constant 0.000000e+00 : f32
    %lt3A_3 = vector.broadcast %lt3A : f32 to vector<16x8x1024xf32>
    %lt3A_4 = arith.cmpf olt, %sub3A, %lt3A_3 : vector<16x8x1024xf32>
    %jit3A = arith.constant 1.000000e+00 : f32
    %jit3A_5 = arith.constant 0.000000e+00 : f32
    %broadcast_in_dim3A = vector.broadcast %jit3A : f32 to vector<16x8x1024xf32>
    %broadcast_in_dim3A_6 = vector.broadcast %jit3A_5 : f32 to vector<16x8x1024xf32>
    %select_n3A = arith.select %lt3A_4, %broadcast_in_dim3A, %broadcast_in_dim3A_6 : vector<16x8x1024xi1>, vector<16x8x1024xf32>
    %sub3A_7 = arith.constant 5.000000e-01 : f32
    %sub3A_8 = vector.broadcast %sub3A_7 : f32 to vector<16x8x1024xf32>
    %sub3A_9 = arith.subf %sub3A_8, %select_n3A : vector<16x8x1024xf32>
    %abs3A = math.absf %sub3A : vector<16x8x1024xf32>
    %sub3A_10 = arith.constant 5.000000e-01 : f32
    %sub3A_11 = vector.broadcast %sub3A_10 : f32 to vector<16x8x1024xf32>
    %sub3A_12 = arith.subf %sub3A_11, %abs3A : vector<16x8x1024xf32>
    %mul3A = arith.constant 1.600000e+01 : f32
    %mul3A_13 = vector.broadcast %mul3A : f32 to vector<16x8x1024xf32>
    %mul3A_14 = arith.mulf %select_n3A, %mul3A_13 : vector<16x8x1024xf32>
    %add3A = arith.addf %mul3A_14, %abs3A : vector<16x8x1024xf32>
    %iota3A = tpu.iota {dimensions = array<i32: 1>} : vector<16x8x1024xi32>
    %sub3A_15 = arith.constant 7 : i32
    %sub3A_16 = vector.broadcast %sub3A_15 : i32 to vector<16x8x1024xi32>
    %sub3A_17 = arith.subi %sub3A_16, %iota3A : vector<16x8x1024xi32>
    %bitcast_convert_type3A = tpu.bitcast %abs3A : vector<16x8x1024xf32> -> vector<16x8x1024xi32>
    %and3A = arith.constant -8 : i32
    %and3A_18 = vector.broadcast %and3A : i32 to vector<16x8x1024xi32>
    %and3A_19 = arith.andi %bitcast_convert_type3A, %and3A_18 : vector<16x8x1024xi32>
    %or3A = arith.ori %and3A_19, %sub3A_17 : vector<16x8x1024xi32>
    %bitcast_convert_type3A_20 = tpu.bitcast %sub3A_12 : vector<16x8x1024xf32> -> vector<16x8x1024xi32>
    %and3A_21 = arith.constant -8 : i32
    %and3A_22 = vector.broadcast %and3A_21 : i32 to vector<16x8x1024xi32>
    %and3A_23 = arith.andi %bitcast_convert_type3A_20, %and3A_22 : vector<16x8x1024xi32>
    %or3A_24 = arith.ori %and3A_23, %sub3A_17 : vector<16x8x1024xi32>
    %reduce_sum3A = arith.constant dense<0.000000e+00> : vector<16x1024xf32>
    %reduce_sum3A_25 = vector.multi_reduction <add>, %round3A, %reduce_sum3A [1] : vector<16x8x1024xf32> to vector<16x1024xf32>
    %broadcast_in_dim3A_26 = vector.shape_cast %reduce_sum3A_25 : vector<16x1024xf32> to vector<16x1x1024xf32>
    %reduce_sum3A_27 = arith.constant dense<0.000000e+00> : vector<16x1024xf32>
    %reduce_sum3A_28 = vector.multi_reduction <add>, %add3A, %reduce_sum3A_27 [1] : vector<16x8x1024xf32> to vector<16x1024xf32>
    %broadcast_in_dim3A_29 = vector.shape_cast %reduce_sum3A_28 : vector<16x1024xf32> to vector<16x1x1024xf32>
    %reduce_max3A = arith.constant dense<-2147483648> : vector<16x1024xi32>
    %reduce_max3A_30 = vector.multi_reduction <maxsi>, %or3A, %reduce_max3A [1] : vector<16x8x1024xi32> to vector<16x1024xi32>
    %broadcast_in_dim3A_31 = vector.shape_cast %reduce_max3A_30 : vector<16x1024xi32> to vector<16x1x1024xi32>
    %reduce_max3A_32 = arith.constant dense<-2147483648> : vector<16x1024xi32>
    %reduce_max3A_33 = vector.multi_reduction <maxsi>, %or3A_24, %reduce_max3A_32 [1] : vector<16x8x1024xi32> to vector<16x1024xi32>
    %broadcast_in_dim3A_34 = vector.shape_cast %reduce_max3A_33 : vector<16x1024xi32> to vector<16x1x1024xi32>
    %mul3A_35 = arith.constant 6.250000e-02 : f32
    %mul3A_36 = vector.broadcast %mul3A_35 : f32 to vector<16x1x1024xf32>
    %mul3A_37 = arith.mulf %broadcast_in_dim3A_29, %mul3A_36 : vector<16x1x1024xf32>
    %convert_element_type3A = arith.fptosi %mul3A_37 : vector<16x1x1024xf32> to vector<16x1x1024xi32>
    %convert_element_type3A_38 = arith.sitofp %convert_element_type3A : vector<16x1x1024xi32> to vector<16x1x1024xf32>
    %mul3A_39 = arith.constant 1.600000e+01 : f32
    %mul3A_40 = vector.broadcast %mul3A_39 : f32 to vector<16x1x1024xf32>
    %mul3A_41 = arith.mulf %convert_element_type3A_38, %mul3A_40 : vector<16x1x1024xf32>
    %sub3A_42 = arith.subf %broadcast_in_dim3A_29, %mul3A_41 : vector<16x1x1024xf32>
    %convert_element_type3A_43 = arith.fptosi %broadcast_in_dim3A_26 : vector<16x1x1024xf32> to vector<16x1x1024xi32>
    %and3A_44 = arith.constant 1 : i32
    %and3A_45 = vector.broadcast %and3A_44 : i32 to vector<16x1x1024xi32>
    %and3A_46 = arith.andi %convert_element_type3A_43, %and3A_45 : vector<16x1x1024xi32>
    %eq3A = arith.constant 1 : i32
    %eq3A_47 = vector.broadcast %eq3A : i32 to vector<16x1x1024xi32>
    %eq3A_48 = arith.cmpi eq, %and3A_46, %eq3A_47 : vector<16x1x1024xi32>
    %sub3A_49 = arith.subf %broadcast_in_dim3A_26, %convert_element_type3A_38 : vector<16x1x1024xf32>
    %convert_element_type3A_50 = arith.fptosi %sub3A_49 : vector<16x1x1024xf32> to vector<16x1x1024xi32>
    %and3A_51 = arith.constant 1 : i32
    %and3A_52 = vector.broadcast %and3A_51 : i32 to vector<16x1x1024xi32>
    %and3A_53 = arith.andi %convert_element_type3A_50, %and3A_52 : vector<16x1x1024xi32>
    %eq3A_54 = arith.constant 1 : i32
    %eq3A_55 = vector.broadcast %eq3A_54 : i32 to vector<16x1x1024xi32>
    %eq3A_56 = arith.cmpi eq, %and3A_53, %eq3A_55 : vector<16x1x1024xi32>
    %and3A_57 = arith.constant -8 : i32
    %and3A_58 = vector.broadcast %and3A_57 : i32 to vector<16x1x1024xi32>
    %and3A_59 = arith.andi %broadcast_in_dim3A_31, %and3A_58 : vector<16x1x1024xi32>
    %bitcast_convert_type3A_60 = tpu.bitcast %and3A_59 : vector<16x1x1024xi32> -> vector<16x1x1024xf32>
    %and3A_61 = arith.constant -8 : i32
    %and3A_62 = vector.broadcast %and3A_61 : i32 to vector<16x1x1024xi32>
    %and3A_63 = arith.andi %broadcast_in_dim3A_34, %and3A_62 : vector<16x1x1024xi32>
    %bitcast_convert_type3A_64 = tpu.bitcast %and3A_63 : vector<16x1x1024xi32> -> vector<16x1x1024xf32>
    %add3A_65 = arith.addf %bitcast_convert_type3A_60, %bitcast_convert_type3A_60 : vector<16x1x1024xf32>
    %sub3A_66 = arith.constant 1.000000e+00 : f32
    %sub3A_67 = vector.broadcast %sub3A_66 : f32 to vector<16x1x1024xf32>
    %sub3A_68 = arith.subf %sub3A_67, %add3A_65 : vector<16x1x1024xf32>
    %jit3A_69 = arith.constant 0.000000e+00 : f32
    %broadcast_in_dim3A_70 = vector.broadcast %jit3A_69 : f32 to vector<16x1x1024xf32>
    %select_n3A_71 = arith.select %eq3A_48, %sub3A_68, %broadcast_in_dim3A_70 : vector<16x1x1024xi1>, vector<16x1x1024xf32>
    %add3A_72 = arith.addf %bitcast_convert_type3A_64, %bitcast_convert_type3A_64 : vector<16x1x1024xf32>
    %sub3A_73 = arith.constant 1.000000e+00 : f32
    %sub3A_74 = vector.broadcast %sub3A_73 : f32 to vector<16x1x1024xf32>
    %sub3A_75 = arith.subf %sub3A_74, %add3A_72 : vector<16x1x1024xf32>
    %jit3A_76 = arith.constant 0.000000e+00 : f32
    %broadcast_in_dim3A_77 = vector.broadcast %jit3A_76 : f32 to vector<16x1x1024xf32>
    %select_n3A_78 = arith.select %eq3A_56, %sub3A_75, %broadcast_in_dim3A_77 : vector<16x1x1024xi1>, vector<16x1x1024xf32>
    %add3A_79 = arith.addf %select_n3A_71, %sub3A_42 : vector<16x1x1024xf32>
    %sub3A_80 = arith.subf %add3A_79, %select_n3A_78 : vector<16x1x1024xf32>
    %le3A = arith.constant 2.000000e+00 : f32
    %le3A_81 = vector.broadcast %le3A : f32 to vector<16x1x1024xf32>
    %le3A_82 = arith.cmpf ole, %sub3A_80, %le3A_81 : vector<16x1x1024xf32>
    %jit3A_83 = arith.constant -1.000000e+00 : f32
    %jit3A_84 = arith.constant 1.000000e+00 : f32
    %broadcast_in_dim3A_85 = vector.broadcast %jit3A_83 : f32 to vector<16x8x1024xf32>
    %broadcast_in_dim3A_86 = vector.broadcast %jit3A_84 : f32 to vector<16x8x1024xf32>
    %select_n3A_87 = arith.select %lt3A_4, %broadcast_in_dim3A_85, %broadcast_in_dim3A_86 : vector<16x8x1024xi1>, vector<16x8x1024xf32>
    %eq3A_88 = vector.broadcast %broadcast_in_dim3A_31 : vector<16x1x1024xi32> to vector<16x8x1024xi32>
    %eq3A_89 = arith.cmpi eq, %or3A, %eq3A_88 : vector<16x8x1024xi32>
    %and3A_90 = vector.broadcast %eq3A_48 : vector<16x1x1024xi1> to vector<16x8x1024xi1>
    %and3A_91 = arith.andi %eq3A_89, %and3A_90 : vector<16x8x1024xi1>
    %eq3A_92 = vector.broadcast %broadcast_in_dim3A_34 : vector<16x1x1024xi32> to vector<16x8x1024xi32>
    %eq3A_93 = arith.cmpi eq, %or3A_24, %eq3A_92 : vector<16x8x1024xi32>
    %and3A_94 = vector.broadcast %eq3A_56 : vector<16x1x1024xi1> to vector<16x8x1024xi1>
    %and3A_95 = arith.andi %eq3A_93, %and3A_94 : vector<16x8x1024xi1>
    %jit3A_96 = arith.constant 0.000000e+00 : f32
    %broadcast_in_dim3A_97 = vector.broadcast %jit3A_96 : f32 to vector<16x8x1024xf32>
    %select_n3A_98 = arith.select %and3A_91, %select_n3A_87, %broadcast_in_dim3A_97 : vector<16x8x1024xi1>, vector<16x8x1024xf32>
    %add3A_99 = arith.addf %round3A, %select_n3A_98 : vector<16x8x1024xf32>
    %add3A_100 = arith.addf %round3A, %sub3A_9 : vector<16x8x1024xf32>
    %jit3A_101 = arith.constant 0.000000e+00 : f32
    %broadcast_in_dim3A_102 = vector.broadcast %jit3A_101 : f32 to vector<16x8x1024xf32>
    %select_n3A_103 = arith.select %and3A_95, %select_n3A_87, %broadcast_in_dim3A_102 : vector<16x8x1024xi1>, vector<16x8x1024xf32>
    %sub3A_104 = arith.subf %add3A_100, %select_n3A_103 : vector<16x8x1024xf32>
    %broadcast_in_dim3A_105 = vector.shape_cast %le3A_82 : vector<16x1x1024xi1> to vector<16x1x1024xi1>
    %broadcast_in_dim3A_106 = vector.broadcast %broadcast_in_dim3A_105 : vector<16x1x1024xi1> to vector<16x8x1024xi1>
    %select_n3A_107 = arith.select %broadcast_in_dim3A_106, %add3A_99, %sub3A_104 : vector<16x8x1024xi1>, vector<16x8x1024xf32>
    %swap3A = arith.constant 0 : index
    %swap3A_108 = arith.constant 0 : index
    %swap3A_109 = arith.constant 0 : index
    %swap3A_110 = vector.load %arg2[%swap3A, %swap3A_108, %swap3A_109] : memref<16x8x1024xf32, #tpu.memory_space<vmem>>, vector<16x8x1024xf32>
    tpu.vector_store %arg2[%swap3A, %swap3A_108, %swap3A_109], %select_n3A_107 {strides = array<i32>} : memref<16x8x1024xf32, #tpu.memory_space<vmem>>, vector<16x8x1024xf32>,
    return
  }
  func.func @transform_0(%arg0: i32) -> (i32, i32, i32) {
    %add3A = arith.constant 2 : i32
    %add3A_0 = arith.addi %arg0, %add3A : i32
    %c0_i32 = arith.constant 0 : i32
    %c0_i32_1 = arith.constant 0 : i32
    %c0_i32_2 = arith.constant 0 : i32
    return %add3A_0, %c0_i32, %c0_i32_1 : i32, i32, i32
  }
  func.func @transform_1(%arg0: i32) -> (i32, i32, i32) {
    %add3A = arith.constant 2 : i32
    %add3A_0 = arith.addi %arg0, %add3A : i32
    %c0_i32 = arith.constant 0 : i32
    %c0_i32_1 = arith.constant 0 : i32
    %c0_i32_2 = arith.constant 0 : i32
    return %add3A_0, %c0_i32, %c0_i32_1 : i32, i32, i32
  }
}

</mosaic_0001>

<sc_bundles>
// kernel: kernel.4.cloned.1.call-start
scs
__scs_entry_jumppad:
0x0: {  	(pc) =	sbr.rel $0x88, $3  }
0x1: {  	(tag) =	ssettag $0x0;
	lr =	simm.s32 $0x1  }
0x2: {  	[smem:$0x3FA0] =	sst lr;
	_ =	strace $0xD0000000  }
0x3: {  	_ = 	snop  }
0x4: {  	_ = 	snop  }
0x5: {  	_ = 	snop  }
0x6: {  	_ = 	snop  }
0x7: {  	_ = 	snop  }
__scs_overlays_trampoline_lowered:
0x8: {  	[smem:$0x3FAF] =	sst s0  }
0x9: {  	[smem:$0x3FB0] =	sst s1  }
0xa: {  	[smem:$0x3FB1] =	sst s2  }
0xb: {  	[smem:$0x3FB2] =	sst s3  }
0xc: {  	[smem:$0x3FB3] =	sst s4  }
0xd: {  	[smem:$0x3FB4] =	sst s5  }
0xe: {  	[smem:$0x3FB5] =	sst s6  }
0xf: {  	[smem:$0x3FB6] =	sst s7  }
0x10: {  	[smem:$0x3FB7] =	sst s8  }
0x11: {  	[smem:$0x3FB8] =	sst s9;
	s0 =	simm.s32 @!p0 $0x0  }
0x12: {  	s1 =	sld [smem:$0x3F9E];
	s0 =	simm.s32 @p0 $0x1  }
0x13: {  	[smem:$0x3FB9] =	sst s0;
	s0 =	simm.s32 @!p1 $0x0  }
0x14: {  	s2 =	sld [smem:$0x3F9D];
	s0 =	simm.s32 @p1 $0x1  }
0x15: {  	[smem:$0x3FBA] =	sst s0;
	s0 =	simm.s32 @!p2 $0x0  }
0x16: {  	s3 =	sld [smem:$0x3FDB];
	s0 =	simm.s32 @p2 $0x1  }
0x17: {  	s4 =	simm.s32 $0x1BF5;
	[smem:$0x3FBC] =	sst s0  }
0x18: {  	s0 =	sld [smem:$0x3F9F];
	_ =	swait.ge [sflag:s4], $0x0  }
0x19: {  	s7 =	sld [smem:$0x3FA0]  }
0x1a: {  	s8 =	sadd.s32 $0xFFFFE003, lr  }
0x1b: {  	s9 =	sadd.s32 $0xFFFFFEF7, lr;
	s5 =	simm.s32 $0xFFFFFFFF;
	p2 =	slt.u32 s8, $0xFFFFF086  }
0x1c: {  	p1 =	slt.u32 s9, $0xF7A;
	s5 =	simm.s32 @!p2 $0x0  }
0x1d: {  	s5 =	simm.s32 @p1 $0x1;
	p0 =	seq.s32 s7, s2  }
0x1e: {  	s7 =	smul.u32 @!p0 $0xF7A, s2;
	p2 =	seq.s32 @!p0 s5, $0x0  }
0x1f: {  	s9 =	smul.u32 $0xF7A, s1;
	s8 =	simm.s32 @!p0 $0x1BF5;
	p2 =	por !p2, p0  }
0x20: {  	[sflag:s8] =	ssyncset.s32 @!p0 $0xFFFFF086;
	s6 =	sadd.s32 @!p0 s3, s7;
	s7 =	simm.s32 @!p0 $0x108  }
0x21: {  	s3 =	sadd.s32 s3, s9;
	s6 =	sadd.s32 @!p0 $0x88, s6;
	s7 =	simm.s32 @p2 $0x1082  }
0x22: {  	[simem:s7], [sflag:s8] =	dma.local @!p0 [hbm:s6], $0xF7A  }
0x23: {  	s9 =	sor.u32 $0xD0000000, s2;
	s6 =	simm.s32 $0x108;
	_ =	swait.ge @!p0 [sflag:s8], $0x0  }
0x24: {  	s3 =	sadd.s32 $0x88, s3;
	s6 =	simm.s32 @!p1 $0x1082;
	[sflag:s4] =	ssyncset.s32 $0xFFFFF086  }
0x25: {  	[simem:s6], [sflag:s4] =	dma.local [hbm:s3], $0xF7A  }
0x26: {  	[smem:$0x3FA0] =	sst s1;
	(tag) =	ssettag s2;
	_ =	strace s9  }
0x27: {  	s1 =	sld [smem:$0x3FB0]  }
0x28: {  	s2 =	sld [smem:$0x3FB1]  }
0x29: {  	s4 =	sld [smem:$0x3FB3]  }
0x2a: {  	p0 =	seq.s32 s5, $0x0;
	s5 =	sld [smem:$0x3FB4]  }
0x2b: {  	s6 =	sld [smem:$0x3FB5]  }
0x2c: {  	s7 =	sld [smem:$0x3FB6]  }
0x2d: {  	s3 =	simm.s32 $0x108;
	s8 =	sld [smem:$0x3FB7]  }
0x2e: {  	s3 =	simm.s32 @!p0 $0x1082;
	s9 =	sld [smem:$0x3FB8]  }
0x2f: {  	lr =	sadd.s32 s0, s3;
	s0 =	sld [smem:$0x3FAF]  }
0x30: {  	s3 =	sld [smem:$0x3FB2]  }
0x31: {  	[smem:$0x3FBB] =	sst s10  }
0x32: {  	s10 =	sld [smem:$0x3FB9];
	_ =	sdelay $0x3  }
0x33: {  	p0 =	seq.s32 s10, $0x1;
	s10 =	sld [smem:$0x3FBB];
	_ =	sdelay $0x3  }
0x34: {  	[smem:$0x3FBB] =	sst s10  }
0x35: {  	s10 =	sld [smem:$0x3FBA];
	_ =	sdelay $0x3  }
0x36: {  	p1 =	seq.s32 s10, $0x1;
	s10 =	sld [smem:$0x3FBB];
	_ =	sdelay $0x3  }
0x37: {  	[smem:$0x3FBB] =	sst s10  }
0x38: {  	s10 =	sld [smem:$0x3FBC]  }
0x39: {  	_ = 	snop;
	(pc) =	sbr.ind lr, $3  }
0x3a: {  	_ = 	snop  }
0x3b: {  	_ = 	snop  }
0x3c: {  	p2 =	seq.s32 s10, $0x1;
	s10 =	sld [smem:$0x3FBB]  }
0x3d: {  	_ =	shalt  }
0x3e: {  	_ =	shalt  }
0x3f: {  	_ =	shalt  }
0x40: {  	_ =	shalt  }
0x41: {  	_ =	shalt  }
0x42: {  	_ =	shalt  }
0x43: {  	_ =	shalt  }
0x44: {  	_ =	shalt  }
0x45: {  	_ =	shalt  }
0x46: {  	_ =	shalt  }
0x47: {  	_ =	shalt  }
0x48: {  	_ =	shalt  }
0x49: {  	_ =	shalt  }
0x4a: {  	_ =	shalt  }
0x4b: {  	_ =	shalt  }
0x4c: {  	_ =	shalt  }
0x4d: {  	_ =	shalt  }
0x4e: {  	_ =	shalt  }
0x4f: {  	_ =	shalt  }
0x50: {  	_ =	shalt  }
0x51: {  	_ =	shalt  }
0x52: {  	_ =	shalt  }
0x53: {  	_ =	shalt  }
0x54: {  	_ =	shalt  }
0x55: {  	_ =	shalt  }
0x56: {  	_ =	shalt  }
0x57: {  	_ =	shalt  }
0x58: {  	_ =	shalt  }
0x59: {  	_ =	shalt  }
0x5a: {  	_ =	shalt  }
0x5b: {  	_ =	shalt  }
0x5c: {  	_ =	shalt  }
0x5d: {  	_ =	shalt  }
0x5e: {  	_ =	shalt  }
0x5f: {  	_ =	shalt  }
0x60: {  	_ =	shalt  }
0x61: {  	_ =	shalt  }
0x62: {  	_ =	shalt  }
0x63: {  	_ =	shalt  }
0x64: {  	_ =	shalt  }
0x65: {  	_ =	shalt  }
0x66: {  	_ =	shalt  }
0x67: {  	_ =	shalt  }
0x68: {  	_ =	shalt  }
0x69: {  	_ =	shalt  }
0x6a: {  	_ =	shalt  }
0x6b: {  	_ =	shalt  }
0x6c: {  	_ =	shalt  }
0x6d: {  	_ =	shalt  }
0x6e: {  	_ =	shalt  }
0x6f: {  	_ =	shalt  }
0x70: {  	_ =	shalt  }
0x71: {  	_ =	shalt  }
0x72: {  	_ =	shalt  }
0x73: {  	_ =	shalt  }
0x74: {  	_ =	shalt  }
0x75: {  	_ =	shalt  }
0x76: {  	_ =	shalt  }
0x77: {  	_ =	shalt  }
0x78: {  	_ =	shalt  }
0x79: {  	_ =	shalt  }
0x7a: {  	_ =	shalt  }
0x7b: {  	_ =	shalt  }
0x7c: {  	_ =	shalt  }
0x7d: {  	_ =	shalt  }
0x7e: {  	_ =	shalt  }
0x7f: {  	_ =	shalt  }
0x80: {  	_ =	shalt  }
0x81: {  	_ =	shalt  }
0x82: {  	_ =	shalt  }
0x83: {  	_ =	shalt  }
0x84: {  	_ =	shalt  }
0x85: {  	_ =	shalt  }
0x86: {  	_ =	shalt  }
0x87: {  	_ =	shalt  }
.Lfunc_end0:
.L_simem_size_0:
called_computation_lowered:
.L_overlay_start_0:
0x88: {  	s2 =	sld [smem:$0x3FD9]  }
0x89: {  	s3 =	sld [smem:$0x3FFE];
	_ =	sdelay $0x1  }
0x8a: {  	s1 =	srdreg.scid  }
0x8b: {  	s0 =	sand.u32 $0x1, s1  }
0x8c: {  	s17 =	sshll.u32 s0, $0xA;
	s2 =	sadd.s32 s3, s2  }
0x8d: {  	s2 =	sadd.s32 s2, s17  }
0x8e: {  	[smem:$0x3FC7] =	sst s2  }
0x8f: {  	_ = 	snop  }
0x90: {  	s2 =	sld [smem:$0x3FC9];
	(tm) =	ssettm $0x1  }
0x91: {  	s18 =	sld [smem:$0x3FFB];
	_ =	sdelay $0x3  }
0x92: {  	_ =	strace s18  }
0x93: {  	s3 =	sld [smem:$0x3FFC];
	_ =	sdelay $0x3  }
0x94: {  	_ =	strace s3  }
0x95: {  	s3 =	sld [smem:$0x3FFD];
	_ =	sdelay $0x3  }
0x96: {  	_ =	strace s3  }
0x97: {  	_ =	strace $0x8FFFFFFF  }
0x98: {  	s19 =	sld [smem:$0x3FDB];
	_ =	sdelay $0x1  }
0x99: {  	s4 =	simm.s32 $_scs_section_size  }
0x9a: {  	s5 =	simm.s32 $_size__tile_overlayer_lowered;
	s6 =	simm.s32 $_tile_overlayer_lowered  }
0x9b: {  	s22 =	simm.s32 $0x1BFF;
	s21 =	sshll.u32 s6, $0x1;
	s3 =	sadd.s32 s4, s19  }
0x9c: {  	s7 =	simm.s32 $0x0;
	s20 =	sshll.u32 s5, $0x1;
	s5 =	sadd.s32 s21, s3  }
0x9d: {  	[timem:s7], [sflag:s22] =	dma.local [hbm:s5], s20  }
0x9e: {  	_ =	swait.ge [sflag:s22], s20  }
0x9f: {  	s4 =	ssub.s32 $0x0, s20;
	[sflag:s22] =	ssyncset.done $0x0  }
0xa0: {  	[sflag:s22] =	ssyncadd.s32 s4;
	_ =	sdelay $0x1  }
0xa1: {  	s23 =	simm.s32 $0x1B8B  }
0xa2: {  	_ =	swait.ge [sflag:s23], $0x1  }
0xa3: {  	[sflag:s23] =	ssyncset.done $0x0  }
0xa4: {  	s25 =	simm.s32 $0x1B8E;
	s24 =	sld [smem:$0x3FFE];
	[sflag:s23] =	ssyncadd.s32 $0xFFFFFFFF  }
0xa5: {  	s26 =	simm.s32 $execute0_lowered;
	[smem:$0x3FD2] =	sst s25  }
0xa6: {  	s5 =	sshll.u32 s26, $0x1;
	_ =	strace $0x80000046;
	[dreg:$0x1] =	wrdreg $0xFFFFFFFF  }
0xa7: {  	s28 =	simm.s32 $_size_execute0_lowered;
	s3 =	sadd.s32 s3, s5;
	[dreg:$0x0] =	wrdreg $0x0  }
0xa8: {  	s5 =	sshll.u32 s28, $0x1;
	[dreg:$0x2] =	wrdreg s3  }
0xa9: {  	[dreg:$0x3] =	wrdreg s5  }
0xaa: {  	[dreg:$0x4] =	wrdreg $0xC0  }
0xab: {  	_ =	task [dreg:s7], $0x5FFFF  }
0xac: {  	[dreg:$0x1] =	wrdreg $0xFFFFFFFF  }
0xad: {  	[dreg:$0x0] =	wrdreg $0x60  }
0xae: {  	[dreg:$0x2] =	wrdreg s2  }
0xaf: {  	[dreg:$0x3] =	wrdreg s24  }
0xb0: {  	[dreg:$0x4] =	wrdreg $0x9  }
0xb1: {  	_ =	task.clear_ibuf [dreg:s7], $0x5FFFF;
	_ =	strace $0x90000046  }
0xb2: {  	s29 =	simm.s32 $0x9;
	_ =	strace $0x80000048  }
0xb3: {  	_ =	swait.ge [sflag:s29], $0x1  }
0xb4: {  	[sflag:s29] =	ssyncadd.s32 $0xFFFFFFFF  }
0xb5: {  	_ =	strace $0x90000048  }
0xb6: {  	_ =	sfence  }
0xb7: {  	s30 =	sld [smem:$0x0];
	_ =	sdelay $0x2  }
0xb8: {  	s31 =	sshll.u32 s1, $0xD;
	s1 =	sshrl.u32 s1, $0x2  }
0xb9: {  	s3 =	sand.u32 $0x4000, s31;
	s1 =	sadd.s32 s1, s30  }
0xba: {  	s0 =	sor.u32 s3, s0;
	s1 =	sshll.u32 s1, $0x11  }
0xbb: {  	s0 =	sor.u32 s1, s0  }
0xbc: {  	s0 =	sadd.s32 $0x8F2B, s0  }
0xbd: {  	[sflag:s0] =	ssyncadd.remote.s32 $0x1  }
0xbe: {  	_ =	sfence.sel $0xFFFF  }
0xbf: {  	[dreg:$0x0] =	wrdreg $0xFFFFFFFF;
	(pc) =	sbr.abs _section_cstart, $3  }
0xc0: {  	[dreg:$0x1] =	wrdreg $0xFFFFFFFF  }
0xc1: {  	_ =	task.clear_ibuf [dreg:s7], $0x2FFFF;
	_ =	strace $0x9FFFFFFF  }
0xc2: {  	(tm) =	ssettm $0x7FFFFFFF  }
0xc3: {  	_ =	shalt  }
tec
execute0_lowered:
.L_overlay_start_1:
0x0: {  	(tag) =	ssettag $0x1  }
0x1: {  	s3 =	rddreg [dreg:$0x0]  }
0x2: {  	s4 =	rddreg [dreg:$0x1]  }
0x3: {  	s0 =	rddreg [dreg:$0x2];
	s5 =	srdreg.scid  }
0x4: {  	s2 =	simm.s32 $0x0;
	s1 =	stileid.u32;
	s8 =	simm.s32 $0x0  }
0x5: {  	s5 =	sand.u32 $0x1, s5;
	s6 =	sshll.u32 s1, $0xB;
	[smem:$0x7FF] =	sst s2  }
0x6: {  	s7 =	sshll.u32 s5, $0xA;
	s5 =	ssub.s32 $0x2, s5;
	_ =	strace $0x80000047  }
0x7: {  	s6 =	sor.u32 s7, s6;
	s31 =	sshrl.u32 s5, $0x1;
	s7 =	simm.s32 $0x2000  }
0x8: {  	s4 =	sadd.s32 s6, s4;
	s5 =	ssub.s32 s5, s31;
	s3 =	sadd.s32 s3, s6  }
0x9: {  	v53 =	vimm.f32 $0.0e+00;
	v54 =	vimm.f32 $-8.388608000e+06;
	v56 =	vimm.f32 $1.000000000e+00;
	s6 =	simm.s32 $0x1;
	s4 =	sadd.s32 $0x600, s4;
	s5 =	smax.u32 s5, $0x1  }
.LBB2_1:
0xa: {  	[tilespmem:s2], [sflag:$0x1] =	stream.linear.gather [hbm4b:s3+s2], $0x2000, $0x38;
	[tilespmem:$0x4000] =	vst v63  }
0xb: {  	_ =	swait.ge [sflag:s6], $0x2000  }
0xc: {  	s9 =	sand.u32 $0x60, s2;
	s10 =	sand.u32 $0x1C00, s2;
	[sflag:s6] =	ssyncset.done $0x0  }
0xd: {  	s9 =	sor.u32 s9, s10;
	[sflag:s6] =	ssyncadd.s32 $0xFFFFE000  }
0xe: {  	v3 =	vld [tilespmem:s9+$0x10]  }
0xf: {  	v4 =	vld [tilespmem:s9+$0x90]  }
0x10: {  	v5 =	vld [tilespmem:s9+$0x110]  }
0x11: {  	v6 =	vld [tilespmem:s9+$0x190]  }
0x12: {  	s30 =	sand.u32 $0x3, s2;
	v20 =	vld [tilespmem:s9+$0x210]  }
0x13: {  	s10 =	sshll.u32 s30, $0x5;
	v21 =	vld [tilespmem:s9+$0x290]  }
0x14: {  	s11 =	sadd.s32 $0x0, s10  }
0x15: {  	s10 =	sor.u32 $0x300, s11;
	s11 =	sadd.s32 $0x10, s11  }
0x16: {  	s12 =	sor.u32 $0x300, s11;
	vm0 =	vge.f32 v3, $0.0e+00;
	vm1 =	vge.f32 v4, $0.0e+00  }
0x17: {  	s13 =	sor.u32 $0x380, s11;
	v23 =	vld [tilespmem:s12+$0x0];
	vm2 =	vge.f32 v5, $0.0e+00;
	vm3 =	vge.f32 v6, $0.0e+00;
	vm4 =	vge.f32 v20, $0.0e+00  }
0x18: {  	v24 =	vld [tilespmem:s13+$0x0];
	vm5 =	vge.f32 v21, $0.0e+00;
	v7 =	vsel vm0, $0x4B000000, v54;
	v8 =	vsel vm1, $0x4B000000, v54  }
0x19: {  	v9 =	vsel vm2, $0x4B000000, v54;
	v10 =	vsel vm3, $0x4B000000, v54;
	v14 =	vadd.f32 v7, v3  }
0x1a: {  	v16 =	vsel vm4, $0x4B000000, v54;
	v15 =	vadd.f32 v8, v4;
	v17 =	vadd.f32 v9, v5  }
0x1b: {  	v18 =	vsel vm5, $0x4B000000, v54;
	v22 =	vadd.f32 v10, v6;
	v25 =	vadd.f32 v16, v20  }
0x1c: {  	vm5 =	vge.f32 v23, $0.0e+00;
	v26 =	vadd.f32 v18, v21;
	v7 =	vsub.f32 v14, v7  }
0x1d: {  	v11 =	vld [tilespmem:s10+$0x0];
	vm4 =	vge.f32 v24, $0.0e+00;
	v19 =	vsub.f32 v15, v8;
	v8 =	vsub.f32 v17, v9  }
0x1e: {  	v12 =	vld [tilespmem:s9+$0x0];
	v9 =	vsub.f32 v22, v10;
	v10 =	vsub.f32 v25, v16;
	v22 =	vsel vm5, $0x4B000000, v54  }
0x1f: {  	v13 =	vld [tilespmem:s9+$0x80];
	v25 =	vsel vm4, $0x4B000000, v54;
	v18 =	vsub.f32 v26, v18;
	v26 =	vadd.f32 v22, v23  }
0x20: {  	v27 =	vadd.f32 v25, v24;
	v28 =	vadd.f32 v19, v7  }
0x21: {  	v0 =	vimm.s32 $0x0;
	v29 =	vadd.f32 v9, v8;
	v30 =	vsub.f32 v3, v7  }
0x22: {  	vm0 =	vge.f32 v11, $0.0e+00;
	v31 =	vadd.f32 v18, v10;
	v4 =	vsub.f32 v4, v19  }
0x23: {  	vm1 =	vge.f32 v12, $0.0e+00;
	v14 =	vld [tilespmem:s9+$0x100];
	v5 =	vsub.f32 v5, v8;
	v6 =	vsub.f32 v6, v9  }
0x24: {  	vm2 =	vge.f32 v13, $0.0e+00;
	v15 =	vld [tilespmem:s9+$0x180];
	v20 =	vsub.f32 v20, v10;
	v21 =	vsub.f32 v21, v18  }
0x25: {  	v16 =	vld [tilespmem:s9+$0x200];
	v22 =	vsub.f32 v26, v22;
	v3 =	vsub.f32 v27, v25;
	v25 =	vand.u32 $0x7FFFFFFF, v30  }
0x26: {  	v17 =	vld [tilespmem:s9+$0x280];
	v26 =	vadd.f32 v29, v28;
	v27 =	vand.u32 $0x7FFFFFFF, v4;
	v28 =	vand.u32 $0x7FFFFFFF, v5  }
0x27: {  	v29 =	vand.u32 $0x7FFFFFFF, v6;
	vm8 =	vlt.f32 v30, $0.0e+00;
	v30 =	vand.u32 $0x7FFFFFFF, v20  }
0x28: {  	v32 =	vand.u32 $0x7FFFFFFF, v21;
	vm9 =	vlt.f32 v4, $0.0e+00;
	vm10 =	vlt.f32 v5, $0.0e+00  }
0x29: {  	vm11 =	vlt.f32 v6, $0.0e+00;
	vm12 =	vlt.f32 v20, $0.0e+00;
	vm7 =	vlt.f32 v21, $0.0e+00  }
0x2a: {  	vm3 =	vge.f32 v14, $0.0e+00;
	vm4 =	vge.f32 v15, $0.0e+00;
	vm5 =	vge.f32 v16, $0.0e+00  }
0x2b: {  	vm6 =	vge.f32 v17, $0.0e+00;
	v21 =	vsel vm8, $0xBF800000, v56;
	v20 =	vsel vm9, $0xBF800000, v56  }
0x2c: {  	v6 =	vsel vm10, $0xBF800000, v56;
	v5 =	vsel vm11, $0xBF800000, v56;
	v33 =	vor.u32 $0x7, v25  }
0x2d: {  	v4 =	vsel vm12, $0xBF800000, v56;
	v34 =	vand.u32 $0x7FFFFFF8, v27;
	v36 =	vadd.f32 v3, v22  }
0x2e: {  	v35 =	vand.u32 $0x7FFFFFF8, v28;
	v37 =	vsub.f32 $5.000000000e-01, v25;
	v38 =	vsub.f32 $5.000000000e-01, v27  }
0x2f: {  	v39 =	vand.u32 $0x7FFFFFF8, v29;
	v40 =	vsub.f32 $5.000000000e-01, v28;
	v41 =	vsub.f32 $5.000000000e-01, v29  }
0x30: {  	v42 =	vsub.f32 $5.000000000e-01, v30;
	v43 =	vsel vm8, $0x3F800000, v53;
	v44 =	vsel vm9, $0x3F800000, v53  }
0x31: {  	v45 =	vsel vm10, $0x3F800000, v53;
	v46 =	vsel vm11, $0x3F800000, v53;
	v47 =	vsel vm12, $0x3F800000, v53  }
0x32: {  	v48 =	vsel vm7, $0x3F800000, v53;
	v58 =	vsub.f32 $5.000000000e-01, v32;
	v23 =	vsub.f32 v23, v22  }
0x33: {  	v24 =	vsub.f32 v24, v3;
	v34 =	vor.u32 $0x6, v34;
	v49 =	vmul.f32 $1.600000000e+01, v43  }
0x34: {  	v35 =	vor.u32 $0x5, v35;
	v39 =	vor.u32 $0x4, v39;
	v50 =	vmul.f32 $1.600000000e+01, v44  }
0x35: {  	v51 =	vmul.f32 $1.600000000e+01, v45;
	v61 =	vmul.f32 $1.600000000e+01, v46;
	v43 =	vsub.f32 $5.000000000e-01, v43  }
0x36: {  	v62 =	vmul.f32 $1.600000000e+01, v47;
	v44 =	vsub.f32 $5.000000000e-01, v44;
	v45 =	vsub.f32 $5.000000000e-01, v45  }
0x37: {  	v63 =	vmul.f32 $1.600000000e+01, v48;
	v46 =	vsub.f32 $5.000000000e-01, v46;
	v47 =	vsub.f32 $5.000000000e-01, v47  }
0x38: {  	v48 =	vsub.f32 $5.000000000e-01, v48;
	v31 =	vadd.f32 v36, v31;
	v55 =	vmax.u32 v33, v34  }
0x39: {  	v57 =	vmax.u32 v35, v39;
	vm9 =	vlt.f32 v23, $0.0e+00;
	v52 =	vand.u32 $0x7FFFFFFF, v23  }
0x3a: {  	vm8 =	vlt.f32 v24, $0.0e+00;
	v24 =	vand.u32 $0x7FFFFFFF, v24;
	v37 =	vor.u32 $0x7, v37  }
0x3b: {  	v38 =	vand.u32 $0xFFFFFFF8, v38;
	v40 =	vand.u32 $0xFFFFFFF8, v40;
	v41 =	vand.u32 $0xFFFFFFF8, v41  }
0x3c: {  	v42 =	vand.u32 $0xFFFFFFF8, v42;
	v25 =	vadd.f32 v49, v25;
	v27 =	vadd.f32 v50, v27  }
0x3d: {  	v60 =	vand.u32 $0xFFFFFFF8, v58;
	v28 =	vadd.f32 v51, v28;
	v29 =	vadd.f32 v61, v29  }
0x3e: {  	v36 =	vmax.u32 v55, v57;
	v49 =	vadd.f32 v62, v30;
	v30 =	vand.u32 $0x7FFFFFF8, v30  }
0x3f: {  	v50 =	vadd.f32 v63, v32;
	v32 =	vand.u32 $0x7FFFFFF8, v32;
	v23 =	vand.u32 $0x7FFFFFF8, v52  }
0x40: {  	v43 =	vadd.f32 v43, v7;
	v44 =	vadd.f32 v44, v19;
	v38 =	vor.u32 $0x6, v38  }
0x41: {  	v40 =	vor.u32 $0x5, v40;
	v45 =	vadd.f32 v45, v8;
	v46 =	vadd.f32 v46, v9  }
0x42: {  	v41 =	vor.u32 $0x4, v41;
	v47 =	vadd.f32 v47, v10;
	v48 =	vadd.f32 v48, v18  }
0x43: {  	v62 =	vsel vm9, $0x3F800000, v53;
	v63 =	vsel vm8, $0x3F800000, v53;
	v57 =	vsub.f32 $5.000000000e-01, v52  }
0x44: {  	v42 =	vor.u32 $0x3, v42;
	v30 =	vor.u32 $0x3, v30;
	v32 =	vor.u32 $0x2, v32  }
0x45: {  	v26 =	vadd.f32 v31, v26;
	v31 =	vor.u32 $0x1, v23;
	vm10 =	vgt.s32 v40, v41  }
0x46: {  	v51 =	vmul.f32 $1.600000000e+01, v63;
	v55 =	vmul.f32 $1.600000000e+01, v62;
	v25 =	vadd.f32 v27, v25  }
0x47: {  	v27 =	vand.u32 $0x7FFFFFF8, v24;
	v28 =	vadd.f32 v29, v28;
	v23 =	vmax.u32 v30, v32  }
0x48: {  	v29 =	vadd.f32 v50, v49;
	v50 =	vor.u32 $0x2, v60;
	v59 =	vmax.u32 v31, v27  }
0x49: {  	v49 =	vmax.u32 v23, v59;
	v23 =	vsel vm7, $0xBF800000, v56;
	vm7 =	vgt.s32 v37, v38  }
0x4a: {  	v25 =	vadd.f32 v28, v25;
	v28 =	vsel vm10, v40, v41;
	v59 =	vtrunc.f32 v26  }
0x4b: {  	v36 =	vmax.u32 v36, v49;
	v61 =	vsel vm7, v37, v38;
	v49 =	vsub.f32 $5.000000000e-01, v62  }
0x4c: {  	vm7 =	vgt.s32 v61, v28;
	vm10 =	veq.s32 v33, v36;
	vm11 =	veq.s32 v34, v36  }
0x4d: {  	vm12 =	veq.s32 v35, v36;
	v35 =	vsel vm9, $0xBF800000, v56;
	vm9 =	veq.s32 v39, v36  }
0x4e: {  	v34 =	vadd.f32 v51, v24;
	v24 =	vsub.f32 $5.000000000e-01, v24;
	vm13 =	veq.s32 v30, v36  }
0x4f: {  	v30 =	vsel vm8, $0xBF800000, v56;
	v39 =	vadd.f32 v55, v52;
	v33 =	vsub.f32 $5.000000000e-01, v63  }
0x50: {  	vm8 =	veq.s32 v32, v36;
	v51 =	vand.u32 $0xFFFFFFF8, v57;
	vm14 =	veq.s32 v31, v36  }
0x51: {  	v60 =	vand.u32 $0x7FFFFFF8, v36;
	v28 =	vsel vm7, v61, v28;
	vm7 =	vgt.s32 v42, v50  }
0x52: {  	v51 =	vor.u32 $0x1, v51;
	v58 =	vsel vm7, v42, v50;
	v24 =	vand.u32 $0xFFFFFFF8, v24  }
0x53: {  	v34 =	vadd.f32 v34, v39;
	v39 =	vcvt.f32.s32 v59;
	vm7 =	vgt.s32 v51, v24  }
0x54: {  	v49 =	vadd.f32 v49, v22;
	v33 =	vadd.f32 v33, v3;
	v31 =	vsel vm7, v51, v24  }
0x55: {  	v39 =	vand.u32 $0x1, v39;
	v29 =	vadd.f32 v34, v29;
	vm15 =	vgt.s32 v58, v31  }
0x56: {  	vm7 =	veq.s32 v39, $0x1;
	v31 =	vsel vm15, v58, v31;
	vm15 =	veq.s32 v27, v36  }
0x57: {  	v27 =	vadd.f32 v60, v60;
	vm10 =	vmand vm10, vm7;
	v25 =	vadd.f32 v29, v25  }
0x58: {  	vm11 =	vmand vm11, vm7;
	vm12 =	vmand vm12, vm7;
	vm9 =	vmand vm9, vm7  }
0x59: {  	vm13 =	vmand vm13, vm7;
	vm8 =	vmand vm8, vm7;
	vm14 =	vmand vm14, vm7  }
0x5a: {  	v60 =	vsel vm6, $0x4B000000, v54;
	vm15 =	vmand vm15, vm7;
	v61 =	vnsel vm10, $0x0, v21  }
0x5b: {  	vm10 =	vgt.s32 v28, v31;
	v62 =	vnsel vm11, $0x0, v20;
	v63 =	vnsel vm12, $0x0, v6  }
0x5c: {  	v52 =	vnsel vm9, $0x0, v5;
	v55 =	vnsel vm13, $0x0, v4;
	v29 =	vmul.f32 $6.250000000e-02, v25  }
0x5d: {  	v57 =	vnsel vm14, $0x0, v35;
	v27 =	vsub.f32 $1.000000000e+00, v27;
	v7 =	vadd.f32 v61, v7  }
0x5e: {  	v34 =	vadd.f32 v62, v19;
	v19 =	vnsel vm8, $0x0, v23;
	v29 =	vtrunc.f32 v29  }
0x5f: {  	v8 =	vadd.f32 v63, v8;
	v9 =	vadd.f32 v52, v9;
	v29 =	vcvt.f32.s32 v29  }
0x60: {  	v32 =	vadd.f32 v55, v10;
	v10 =	vnsel vm15, $0x0, v30;
	v28 =	vsel vm10, v28, v31  }
0x61: {  	v36 =	vadd.f32 v57, v22;
	v31 =	vadd.f32 v19, v18;
	v29 =	vcvt.s32.f32 v29  }
0x62: {  	vm8 =	veq.s32 v37, v28;
	vm9 =	veq.s32 v38, v28;
	v19 =	vand.u32 $0xFFFFFFF8, v28  }
0x63: {  	vm10 =	veq.s32 v40, v28;
	vm11 =	veq.s32 v41, v28;
	v26 =	vsub.f32 v26, v29  }
0x64: {  	vm12 =	veq.s32 v42, v28;
	vm13 =	veq.s32 v50, v28;
	vm15 =	veq.s32 v24, v28  }
0x65: {  	v19 =	vadd.f32 v19, v19;
	v22 =	vmul.f32 $1.600000000e+01, v29;
	v18 =	vtrunc.f32 v26  }
0x66: {  	s31 =	sor.u32 s2, s2;
	v26 =	vadd.f32 v10, v3;
	v3 =	vsel vm0, $0x4B000000, v54;
	v18 =	vcvt.f32.s32 v18  }
0x67: {  	s11 =	sor.u32 $0x380, s31;
	v19 =	vsub.f32 $1.000000000e+00, v19;
	v29 =	vsel vm4, $0x4B000000, v54;
	v10 =	vadd.f32 v3, v11  }
0x68: {  	v62 =	vadd.f32 v29, v15;
	v22 =	vsub.f32 v25, v22;
	v25 =	vld [tilespmem:s11+$0x0];
	v18 =	vand.u32 $0x1, v18  }
0x69: {  	v3 =	vsub.f32 v10, v3;
	vm14 =	veq.s32 v18, $0x1;
	v18 =	vnsel vm7, $0x0, v27  }
0x6a: {  	vm7 =	veq.s32 v51, v28;
	v28 =	vsel vm3, $0x4B000000, v54;
	v19 =	vnsel vm14, $0x0, v19  }
0x6b: {  	v18 =	vadd.f32 v22, v18;
	vm8 =	vmand vm8, vm14;
	vm9 =	vmand vm9, vm14  }
0x6c: {  	vm10 =	vmand vm10, vm14;
	vm11 =	vmand vm11, vm14;
	vm12 =	vmand vm12, vm14  }
0x6d: {  	vm13 =	vmand vm13, vm14;
	vm0 =	vge.f32 v25, $0.0e+00;
	v22 =	vsel vm2, $0x4B000000, v54  }
0x6e: {  	v61 =	vadd.f32 v28, v14;
	v20 =	vnsel vm9, $0x0, v20;
	vm9 =	vmand vm15, vm14  }
0x6f: {  	v6 =	vnsel vm10, $0x0, v6;
	v5 =	vnsel vm11, $0x0, v5;
	v4 =	vnsel vm12, $0x0, v4  }
0x70: {  	v59 =	vadd.f32 v22, v13;
	v63 =	vsel vm0, $0x4B000000, v54;
	v18 =	vsub.f32 v18, v19  }
0x71: {  	v19 =	vnsel vm8, $0x0, v21;
	v6 =	vsub.f32 v45, v6;
	v5 =	vsub.f32 v46, v5  }
0x72: {  	vm8 =	vmand vm7, vm14;
	v4 =	vsub.f32 v47, v4;
	v19 =	vsub.f32 v43, v19  }
0x73: {  	v46 =	vadd.f32 v60, v17;
	v47 =	vadd.f32 v63, v25;
	vm7 =	vle.f32 v18, $2.000000000e+00  }
0x74: {  	v18 =	vsub.f32 v44, v20;
	v20 =	vnsel vm8, $0x0, v35;
	v19 =	vsel vm7, v7, v19  }
0x75: {  	v7 =	vnsel vm13, $0x0, v23;
	v20 =	vsub.f32 v49, v20;
	v24 =	vsel vm7, v8, v6  }
0x76: {  	v23 =	vsel vm7, v9, v5;
	v8 =	vsub.f32 v59, v22;
	v9 =	vsub.f32 v61, v28  }
0x77: {  	v22 =	vsel vm7, v32, v4;
	v5 =	vsub.f32 v46, v60;
	v4 =	vsub.f32 v47, v63  }
0x78: {  	v28 =	vsub.f32 v11, v3;
	v21 =	vsub.f32 v48, v7;
	v7 =	vnsel vm9, $0x0, v30  }
0x79: {  	v18 =	vsel vm7, v34, v18;
	v30 =	vsel vm5, $0x4B000000, v54;
	v27 =	vsub.f32 v33, v7  }
0x7a: {  	v7 =	vsel vm1, $0x4B000000, v54;
	v45 =	vadd.f32 v30, v16;
	v20 =	vsel vm7, v36, v20  }
0x7b: {  	vm0 =	vlt.f32 v28, $0.0e+00;
	v49 =	vsub.f32 v17, v5;
	v50 =	vsub.f32 v25, v4  }
0x7c: {  	v28 =	vand.u32 $0x7FFFFFFF, v28;
	v58 =	vadd.f32 v7, v12;
	v21 =	vsel vm7, v31, v21  }
0x7d: {  	v0 =	vsel vm0, $0xFFFFFFFF, v0;
	v61 =	vand.u32 $0x7FFFFFF8, v28;
	v6 =	vsub.f32 v45, v30  }
0x7e: {  	v11 =	vsel vm7, v26, v27;
	v30 =	vsub.f32 v14, v9;
	[tilespmem:$0x1FF60] =	vst v0;
	v0 =	vimm.s32 $0x0  }
0x7f: {  	vm5 =	vlt.f32 v49, $0.0e+00;
	vm1 =	vlt.f32 v50, $0.0e+00;
	v26 =	vsel vm0, $0x3F800000, v53  }
0x80: {  	v33 =	vand.u32 $0x7FFFFFFF, v49;
	v34 =	vand.u32 $0x7FFFFFFF, v50;
	v10 =	vsub.f32 v58, v7  }
0x81: {  	v7 =	vsub.f32 v62, v29;
	v29 =	vsub.f32 v13, v8;
	v13 =	vsel vm1, $0x3F800000, v53  }
0x82: {  	v52 =	vmul.f32 $1.600000000e+01, v26;
	v48 =	vsub.f32 v16, v6;
	vm7 =	vlt.f32 v30, $0.0e+00  }
0x83: {  	v30 =	vand.u32 $0x7FFFFFFF, v30;
	v60 =	vmul.f32 $1.600000000e+01, v13;
	v27 =	vsub.f32 v12, v10  }
0x84: {  	v31 =	vsub.f32 v15, v7;
	vm6 =	vlt.f32 v29, $0.0e+00;
	v17 =	vsel vm7, $0x3F800000, v53  }
0x85: {  	v12 =	vsel vm5, $0x3F800000, v53;
	v29 =	vand.u32 $0x7FFFFFFF, v29;
	v36 =	vadd.f32 v52, v28  }
0x86: {  	v45 =	vand.u32 $0x7FFFFFF8, v30;
	v28 =	vsub.f32 $5.000000000e-01, v28;
	v52 =	vand.u32 $0x7FFFFFF8, v33  }
0x87: {  	vm4 =	vlt.f32 v48, $0.0e+00;
	v16 =	vsel vm6, $0x3F800000, v53;
	v55 =	vmul.f32 $1.600000000e+01, v17  }
0x88: {  	v59 =	vmul.f32 $1.600000000e+01, v12;
	v32 =	vand.u32 $0x7FFFFFFF, v48;
	v44 =	vand.u32 $0x7FFFFFF8, v29  }
0x89: {  	v42 =	vadd.f32 v60, v34;
	v60 =	vadd.f32 v7, v9;
	vm2 =	vlt.f32 v27, $0.0e+00  }
0x8a: {  	vm3 =	vlt.f32 v31, $0.0e+00;
	v15 =	vsel vm4, $0x3F800000, v53;
	v27 =	vand.u32 $0x7FFFFFFF, v27  }
0x8b: {  	v31 =	vand.u32 $0x7FFFFFFF, v31;
	v63 =	vand.u32 $0x7FFFFFF8, v32;
	v28 =	vand.u32 $0xFFFFFFF8, v28  }
0x8c: {  	v0 =	vsel vm2, $0xFFFFFFFF, v0;
	v25 =	vsel vm2, $0x3F800000, v53;
	v14 =	vsel vm3, $0x3F800000, v53  }
0x8d: {  	v53 =	vmul.f32 $1.600000000e+01, v16;
	v38 =	vadd.f32 v55, v30;
	v41 =	vadd.f32 v59, v33  }
0x8e: {  	v58 =	vmul.f32 $1.600000000e+01, v15;
	v36 =	vadd.f32 v42, v36;
	v30 =	vsub.f32 $5.000000000e-01, v30  }
0x8f: {  	v46 =	vand.u32 $0x7FFFFFF8, v31;
	v33 =	vsub.f32 $5.000000000e-01, v33;
	v55 =	vsub.f32 $5.000000000e-01, v34  }
0x90: {  	v59 =	vadd.f32 v8, v10;
	v28 =	vor.u32 $0x1, v28;
	[tilespmem:$0x1FF70] =	vst v0;
	v0 =	vimm.s32 $0x0  }
0x91: {  	v51 =	vmul.f32 $1.600000000e+01, v25;
	v57 =	vmul.f32 $1.600000000e+01, v14;
	v37 =	vadd.f32 v53, v29  }
0x92: {  	v0 =	vsel vm6, $0xFFFFFFFF, v0;
	v40 =	vadd.f32 v58, v32;
	v29 =	vsub.f32 $5.000000000e-01, v29  }
0x93: {  	v32 =	vsub.f32 $5.000000000e-01, v32;
	v53 =	vsub.f32 $5.000000000e-01, v27;
	v30 =	vand.u32 $0xFFFFFFF8, v30  }
0x94: {  	v33 =	vand.u32 $0xFFFFFFF8, v33;
	v58 =	vadd.f32 v4, v3;
	v43 =	vadd.f32 v60, v59  }
0x95: {  	[tilespmem:$0x1FF80] =	vst v0;
	v0 =	vimm.s32 $0x0;
	v35 =	vadd.f32 v51, v27;
	v39 =	vadd.f32 v57, v31  }
0x96: {  	v31 =	vsub.f32 $5.000000000e-01, v31;
	v30 =	vor.u32 $0x5, v30;
	v33 =	vor.u32 $0x2, v33  }
0x97: {  	v0 =	vsel vm7, $0xFFFFFFFF, v0;
	v51 =	vadd.f32 v41, v40;
	v29 =	vand.u32 $0xFFFFFFF8, v29  }
0x98: {  	v32 =	vand.u32 $0xFFFFFFF8, v32;
	[tilespmem:$0x1FF90] =	vst v0;
	v0 =	vimm.s32 $0x0;
	v35 =	vadd.f32 v37, v35  }
0x99: {  	v62 =	vadd.f32 v39, v38;
	v37 =	vor.u32 $0x1, v61;
	v31 =	vand.u32 $0xFFFFFFF8, v31  }
0x9a: {  	v29 =	vor.u32 $0x6, v29;
	v61 =	vadd.f32 v5, v6;
	v32 =	vor.u32 $0x3, v32  }
0x9b: {  	v39 =	vand.u32 $0xFFFFFFF8, v55;
	v36 =	vadd.f32 v36, v51;
	v35 =	vadd.f32 v62, v35  }
0x9c: {  	v38 =	vor.u32 $0x3, v63;
	v0 =	vsel vm3, $0xFFFFFFFF, v0;
	v31 =	vor.u32 $0x4, v31  }
0x9d: {  	vm3 =	vgt.s32 v32, v33;
	[tilespmem:$0x1FFA0] =	vst v0;
	v0 =	vimm.s32 $0x0;
	v35 =	vadd.f32 v36, v35  }
0x9e: {  	vm2 =	vgt.s32 v30, v31;
	v42 =	vadd.f32 v58, v61;
	v0 =	vsel vm4, $0xFFFFFFFF, v0  }
0x9f: {  	v58 =	vsel vm3, v32, v33;
	[tilespmem:$0x1FFB0] =	vst v0;
	v0 =	vimm.s32 $0x0;
	v57 =	vmul.f32 $6.250000000e-02, v35  }
0xa0: {  	v63 =	vsel vm2, v30, v31;
	v36 =	vor.u32 $0x7, v53;
	v0 =	vsel vm5, $0xFFFFFFFF, v0  }
0xa1: {  	vm0 =	vgt.s32 v36, v29;
	[tilespmem:$0x1FFC0] =	vst v0;
	v0 =	vimm.s32 $0x0;
	v41 =	vtrunc.f32 v57  }
0xa2: {  	v0 =	vsel vm1, $0xFFFFFFFF, v0;
	vm1 =	vgt.s32 v28, v39;
	v41 =	vcvt.f32.s32 v41  }
0xa3: {  	v42 =	vadd.f32 v42, v43;
	v62 =	vsel vm0, v36, v29;
	v55 =	vsel vm1, v28, v39  }
0xa4: {  	vm0 =	vgt.s32 v62, v63;
	vm5 =	vgt.s32 v58, v55;
	v41 =	vcvt.s32.f32 v41  }
0xa5: {  	v45 =	vor.u32 $0x5, v45;
	v43 =	vsel vm0, v62, v63;
	v48 =	vsel vm5, v58, v55  }
0xa6: {  	v44 =	vor.u32 $0x6, v44;
	vm0 =	vgt.s32 v43, v48;
	v57 =	vsub.f32 v42, v41  }
0xa7: {  	v34 =	vand.u32 $0x7FFFFFF8, v34;
	v40 =	vor.u32 $0x2, v52;
	v43 =	vsel vm0, v43, v48  }
0xa8: {  	vm1 =	veq.s32 v29, v43;
	v29 =	vand.u32 $0xFFFFFFF8, v43;
	v49 =	vtrunc.f32 v57  }
0xa9: {  	[tilespmem:$0x1FFD0] =	vst v0;
	v0 =	vimm.s32 $0x0;
	v29 =	vadd.f32 v29, v29;
	v49 =	vcvt.f32.s32 v49  }
0xaa: {  	vm0 =	veq.s32 v36, v43;
	vm2 =	veq.s32 v30, v43;
	vm3 =	veq.s32 v31, v43  }
0xab: {  	vm4 =	veq.s32 v32, v43;
	v29 =	vsub.f32 $1.000000000e+00, v29;
	v63 =	vand.u32 $0x1, v49  }
0xac: {  	vm5 =	veq.s32 v33, v43;
	vm7 =	veq.s32 v28, v43;
	vm6 =	veq.s32 v63, $0x1  }
0xad: {  	v52 =	vnsel vm6, $0x0, v29;
	vm0 =	vmand vm0, vm6;
	vm1 =	vmand vm1, vm6  }
0xae: {  	vm2 =	vmand vm2, vm6;
	vm3 =	vmand vm3, vm6;
	vm7 =	vmand vm7, vm6  }
0xaf: {  	vm4 =	vmand vm4, vm6;
	v0 =	vsel vm7, $0xFFFFFFFF, v0;
	vm7 =	veq.s32 v39, v43  }
0xb0: {  	vm5 =	vmand vm5, vm6;
	[tilespmem:$0x1FFE0] =	vst v0;
	vm6 =	vmand vm7, vm6;
	v0 =	vimm.s32 $0x0  }
0xb1: {  	v46 =	vor.u32 $0x4, v46;
	v27 =	vor.u32 $0x7, v27;
	v0 =	vsel vm6, $0xFFFFFFFF, v0  }
0xb2: {  	v59 =	vmax.u32 v27, v44;
	v60 =	vmax.u32 v37, v34;
	v51 =	vtrunc.f32 v42;
	[tilespmem:$0x1FFF0] =	vst v0;
	v0 =	vld [tilespmem:$0x1FF60]  }
0xb3: {  	v61 =	vmax.u32 v38, v40;
	v62 =	vmax.u32 v45, v46;
	v31 =	vcvt.f32.s32 v51  }
0xb4: {  	v47 =	vmax.u32 v61, v60;
	v50 =	vmax.u32 v59, v62  }
0xb5: {  	v47 =	vmax.u32 v50, v47;
	v28 =	vand.u32 $0x1, v31  }
0xb6: {  	vm9 =	veq.s32 v46, v47;
	vm13 =	veq.s32 v28, $0x1  }
0xb7: {  	vm15 =	vmand vm9, vm13;
	vm9 =	vnez.u8 v0;
	v0 =	vld [tilespmem:$0x1FF70];
	_ =	sdelay $0x4  }
0xb8: {  	vm6 =	veq.s32 v27, v47;
	v27 =	vsel vm9, $0xBF800000, v56;
	vm9 =	vnez.u8 v0;
	v0 =	vld [tilespmem:$0x1FF80];
	_ =	sdelay $0x4  }
0xb9: {  	v55 =	vsel vm9, $0xBF800000, v56;
	vm9 =	vnez.u8 v0;
	v0 =	vld [tilespmem:$0x1FF90];
	_ =	sdelay $0x4  }
0xba: {  	v30 =	vand.u32 $0x7FFFFFF8, v47;
	v57 =	vsel vm9, $0xBF800000, v56;
	vm9 =	vnez.u8 v0;
	v0 =	vld [tilespmem:$0x1FFA0]  }
0xbb: {  	v30 =	vadd.f32 v30, v30;
	_ =	sdelay $0x1  }
0xbc: {  	v30 =	vsub.f32 $1.000000000e+00, v30;
	_ =	sdelay $0x1  }
0xbd: {  	v53 =	vnsel vm13, $0x0, v30;
	v30 =	vsel vm9, $0xBF800000, v56;
	vm9 =	vnez.u8 v0;
	v0 =	vld [tilespmem:$0x1FFB0];
	_ =	sdelay $0x4  }
0xbe: {  	v33 =	vsel vm9, $0xBF800000, v56;
	vm9 =	vnez.u8 v0;
	v0 =	vld [tilespmem:$0x1FFC0];
	_ =	sdelay $0x3  }
0xbf: {  	v26 =	vsub.f32 $5.000000000e-01, v26  }
0xc0: {  	vm14 =	veq.s32 v34, v47;
	v34 =	vsel vm9, $0xBF800000, v56;
	vm9 =	vnez.u8 v0;
	v0 =	vld [tilespmem:$0x1FFD0]  }
0xc1: {  	v60 =	vsub.f32 $5.000000000e-01, v14;
	v61 =	vsub.f32 $5.000000000e-01, v15;
	[tilespmem:s9+$0x2010] =	vst v19  }
0xc2: {  	v59 =	vsub.f32 $5.000000000e-01, v17;
	v62 =	vsub.f32 $5.000000000e-01, v12;
	[tilespmem:s9+$0x2090] =	vst v18  }
0xc3: {  	v12 =	vadd.f32 v26, v3;
	v58 =	vsub.f32 $5.000000000e-01, v25;
	vm8 =	veq.s32 v45, v47;
	[tilespmem:s9+$0x2110] =	vst v24  }
0xc4: {  	vm10 =	veq.s32 v38, v47;
	vm11 =	veq.s32 v40, v47;
	vm12 =	veq.s32 v37, v47;
	[tilespmem:s9+$0x2190] =	vst v23  }
0xc5: {  	v14 =	vadd.f32 v58, v10;
	v28 =	vnsel vm0, $0x0, v55;
	vm0 =	vnez.u8 v0;
	v0 =	vld [tilespmem:$0x1FFE0]  }
0xc6: {  	vm8 =	vmand vm8, vm13;
	vm10 =	vmand vm10, vm13;
	v29 =	vmul.f32 $1.600000000e+01, v41  }
0xc7: {  	vm11 =	vmand vm11, vm13;
	vm12 =	vmand vm12, vm13;
	vm7 =	veq.s32 v44, v47;
	[tilespmem:s9+$0x2210] =	vst v22  }
0xc8: {  	v63 =	vsub.f32 $5.000000000e-01, v13;
	v35 =	vsub.f32 v35, v29;
	vm7 =	vmand vm7, vm13;
	[tilespmem:s9+$0x2290] =	vst v21  }
0xc9: {  	vm6 =	vmand vm6, vm13;
	vm13 =	vmand vm14, vm13;
	v29 =	vnsel vm1, $0x0, v57;
	[tilespmem:s12+$0x2000] =	vst v20  }
0xca: {  	v26 =	vnsel vm7, $0x0, v57;
	v15 =	vnsel vm4, $0x0, v34;
	vm4 =	vnez.u8 v0;
	v0 =	vld [tilespmem:$0x1FFF0]  }
0xcb: {  	v25 =	vnsel vm2, $0x0, v30;
	v19 =	vsub.f32 $5.000000000e-01, v16;
	v23 =	vadd.f32 v35, v53  }
0xcc: {  	v17 =	vnsel vm3, $0x0, v33;
	v24 =	vnsel vm6, $0x0, v55;
	v18 =	vadd.f32 v59, v9  }
0xcd: {  	v31 =	vsel vm9, $0xBF800000, v56;
	v35 =	vsub.f32 v23, v52;
	v22 =	vadd.f32 v19, v8  }
0xce: {  	v16 =	vnsel vm5, $0x0, v31;
	v21 =	vadd.f32 v60, v7;
	v19 =	vadd.f32 v61, v6  }
0xcf: {  	s14 =	simm.s32 $0x20;
	v32 =	vsel vm0, $0xBF800000, v56;
	v20 =	vadd.f32 v62, v5;
	vm5 =	vnez.u8 v0  }
0xd0: {  	s15 =	simm.s32 $0x0;
	s12 =	simm.s32 $0x0;
	[tilespmem:s13+$0x2000] =	vst v11;
	v11 =	vadd.f32 v63, v4;
	s13 =	simm.s32 $0x100;
	v13 =	vnsel vm4, $0x0, v27;
	v23 =	vnsel vm5, $0x0, v32  }
.LBB2_2:
0xd1: {  	s16 =	sand.u32 $0x60, s14;
	s17 =	sand.u32 $0x1C00, s13  }
0xd2: {  	s17 =	sor.u32 s16, s17  }
0xd3: {  	v0 =	vsub.f32 v21, v17;
	v36 =	vld [tilespmem:s17+$0x10]  }
0xd4: {  	v10 =	vadd.f32 v24, v10;
	v55 =	vld [tilespmem:s17+$0x90]  }
0xd5: {  	s15 =	sadd.s32 $0x1, s15;
	v28 =	vsub.f32 v14, v28;
	[tilespmem:$0x1FDF0] =	vst v0;
	v37 =	vld [tilespmem:s17+$0x110];
	v0 =	vsub.f32 v19, v15  }
0xd6: {  	s18 =	sor.u32 s13, s14;
	vm6 =	vle.f32 v35, $2.000000000e+00;
	v22 =	vsub.f32 v22, v29;
	s31 =	sand.u32 $0x3, s15;
	v38 =	vld [tilespmem:s17+$0x190]  }
0xd7: {  	s30 =	sor.u32 $0x380, s18;
	v15 =	vadd.f32 v26, v8;
	s18 =	sshll.u32 s31, $0x5;
	v1 =	vld [tilespmem:s17+$0x0];
	v10 =	vsel vm6, v10, v28;
	[tilespmem:$0x1FE10] =	vst v0;
	v0 =	vsub.f32 v20, v16  }
0xd8: {  	v30 =	vnsel vm8, $0x0, v30;
	v2 =	vld [tilespmem:s17+$0x80];
	s19 =	sadd.s32 s18, s13;
	[tilespmem:s9+$0x2000] =	vst v10  }
0xd9: {  	v33 =	vnsel vm15, $0x0, v33;
	v39 =	vld [tilespmem:s17+$0x210];
	v19 =	vsel vm6, v15, v22;
	s20 =	sadd.s32 $0x10, s19;
	[tilespmem:$0x1FE30] =	vst v0;
	v0 =	vsub.f32 v12, v13  }
0xda: {  	v34 =	vnsel vm10, $0x0, v34;
	v25 =	vsub.f32 v18, v25;
	s18 =	sor.u32 $0x300, s19;
	v18 =	vld [tilespmem:s17+$0x100];
	[tilespmem:s9+$0x2080] =	vst v19;
	s19 =	sor.u32 $0x300, s20;
	s20 =	sor.u32 $0x380, s20;
	vm3 =	vge.f32 v37, $0.0e+00  }
0xdb: {  	v31 =	vnsel vm11, $0x0, v31;
	v41 =	vld [tilespmem:s20+$0x0];
	[tilespmem:$0x1FE50] =	vst v0;
	v0 =	vsub.f32 v11, v23;
	v10 =	vsel vm3, $0x4B000000, v54  }
0xdc: {  	v27 =	vnsel vm12, $0x0, v27;
	v32 =	vnsel vm13, $0x0, v32;
	v19 =	vld [tilespmem:s18+$0x0];
	v28 =	vadd.f32 v10, v37  }
0xdd: {  	v9 =	vadd.f32 v30, v9;
	vm1 =	vge.f32 v36, $0.0e+00;
	[tilespmem:$0x1FE70] =	vst v0;
	v0 =	vadd.f32 v33, v7  }
0xde: {  	vm2 =	vge.f32 v55, $0.0e+00;
	vm5 =	vge.f32 v39, $0.0e+00;
	v28 =	vsub.f32 v28, v10  }
0xdf: {  	v40 =	vld [tilespmem:s19+$0x0];
	vm4 =	vge.f32 v38, $0.0e+00;
	v29 =	vsel vm5, $0x4B000000, v54;
	[tilespmem:$0x1FE00] =	vst v0;
	v0 =	vadd.f32 v34, v6  }
0xe0: {  	vm5 =	vge.f32 v1, $0.0e+00;
	vm3 =	vge.f32 v41, $0.0e+00;
	v37 =	vsub.f32 v37, v28  }
0xe1: {  	vm0 =	vge.f32 v19, $0.0e+00;
	v10 =	vsel vm3, $0x4B000000, v54;
	[tilespmem:$0x1FE20] =	vst v0;
	v0 =	vadd.f32 v31, v5  }
0xe2: {  	v24 =	vld [tilespmem:s17+$0x290];
	vm3 =	vge.f32 v2, $0.0e+00;
	v31 =	vadd.f32 v29, v39;
	v52 =	vand.u32 $0x7FFFFFFF, v37  }
0xe3: {  	vm13 =	vlt.f32 v37, $0.0e+00;
	[tilespmem:$0x1FE40] =	vst v0;
	v0 =	vadd.f32 v27, v3;
	v3 =	vsel vm6, v9, v25  }
0xe4: {  	v9 =	vsel vm2, $0x4B000000, v54;
	v25 =	vsel vm4, $0x4B000000, v54;
	vm2 =	vge.f32 v40, $0.0e+00  }
0xe5: {  	v31 =	vsub.f32 v31, v29;
	vm4 =	vge.f32 v18, $0.0e+00;
	v47 =	vsub.f32 $5.000000000e-01, v52  }
0xe6: {  	[tilespmem:s9+$0x2100] =	vst v3;
	v3 =	vsel vm1, $0x4B000000, v54;
	v27 =	vadd.f32 v9, v55;
	v30 =	vadd.f32 v25, v38  }
0xe7: {  	vm1 =	vge.f32 v24, $0.0e+00;
	[tilespmem:$0x1FE60] =	vst v0;
	v0 =	vadd.f32 v32, v4;
	v23 =	vadd.f32 v3, v36  }
0xe8: {  	v57 =	vsel vm1, $0x4B000000, v54;
	v39 =	vsub.f32 v39, v31;
	v47 =	vand.u32 $0xFFFFFFF8, v47  }
0xe9: {  	v27 =	vsub.f32 v27, v9;
	v30 =	vsub.f32 v30, v25;
	v9 =	vsel vm2, $0x4B000000, v54  }
0xea: {  	v25 =	vadd.f32 v10, v41;
	[tilespmem:$0x1FE80] =	vst v0;
	v0 =	vimm.s32 $0x0;
	v26 =	vsub.f32 v23, v3  }
0xeb: {  	v20 =	vld [tilespmem:s17+$0x180];
	v3 =	vadd.f32 v57, v24;
	v54 =	vand.u32 $0x7FFFFFFF, v39;
	vm11 =	vlt.f32 v39, $0.0e+00  }
0xec: {  	v21 =	vld [tilespmem:s17+$0x200];
	v0 =	vsel vm0, $0xFFFFFFFF, v0;
	v59 =	vadd.f32 v30, v28;
	v35 =	vsub.f32 v55, v27  }
0xed: {  	v22 =	vld [tilespmem:s17+$0x280];
	v38 =	vsub.f32 v38, v30;
	v12 =	vsub.f32 v25, v10;
	v25 =	vsel vm13, $0xBF800000, v56  }
0xee: {  	v14 =	vsel vm11, $0xBF800000, v56;
	v49 =	vand.u32 $0x7FFFFFF8, v54;
	v51 =	vsub.f32 $5.000000000e-01, v54  }
0xef: {  	v10 =	vimm.f32 $1.000000000e+00;
	v29 =	vsub.f32 v3, v57;
	v3 =	vadd.f32 v9, v40  }
0xf0: {  	[tilespmem:$0x1FDB0] =	vst v0;
	v0 =	vimm.s32 $0x0;
	v58 =	vadd.f32 v27, v26;
	v36 =	vsub.f32 v36, v26  }
0xf1: {  	v0 =	vsel vm5, $0xFFFFFFFF, v0;
	vm5 =	vge.f32 v20, $0.0e+00;
	vm2 =	vge.f32 v21, $0.0e+00  }
0xf2: {  	vm7 =	vge.f32 v22, $0.0e+00;
	v50 =	vand.u32 $0x7FFFFFFF, v35;
	v53 =	vand.u32 $0x7FFFFFFF, v38  }
0xf3: {  	vm12 =	vlt.f32 v35, $0.0e+00;
	v61 =	vsub.f32 v41, v12;
	v42 =	vadd.f32 v29, v31  }
0xf4: {  	vm10 =	vlt.f32 v38, $0.0e+00;
	v34 =	vsub.f32 v3, v9;
	v9 =	vsub.f32 v24, v29  }
0xf5: {  	v46 =	vand.u32 $0x7FFFFFFF, v36;
	v44 =	vadd.f32 v59, v58;
	vm9 =	vlt.f32 v36, $0.0e+00  }
0xf6: {  	v32 =	vsel vm12, $0xBF800000, v56;
	v24 =	vsel vm10, $0xBF800000, v56;
	v35 =	vand.u32 $0x7FFFFFF8, v50  }
0xf7: {  	v36 =	vand.u32 $0x7FFFFFF8, v52;
	v39 =	vsub.f32 $5.000000000e-01, v50;
	v43 =	vand.u32 $0x7FFFFFF8, v53  }
0xf8: {  	[tilespmem:$0x1FDC0] =	vst v0;
	v48 =	vsub.f32 $5.000000000e-01, v53;
	v0 =	vimm.f32 $0.0e+00;
	v3 =	vand.u32 $0xFFFFFFF8, v51  }
0xf9: {  	v33 =	vsel vm9, $0xBF800000, v56;
	v45 =	vor.u32 $0x7, v46;
	v38 =	vsub.f32 $5.000000000e-01, v46  }
0xfa: {  	v58 =	vsel vm9, $0x3F800000, v0;
	v59 =	vsel vm12, $0x3F800000, v0;
	v60 =	vsel vm13, $0x3F800000, v0  }
0xfb: {  	v41 =	vsel vm10, $0x3F800000, v0;
	v62 =	vsel vm11, $0x3F800000, v0;
	v35 =	vor.u32 $0x6, v35  }
0xfc: {  	[tilespmem:$0x1FDE0] =	vst v2;
	v36 =	vor.u32 $0x5, v36;
	v2 =	vand.u32 $0x7FFFFFFF, v61;
	v37 =	vadd.f32 v12, v34  }
0xfd: {  	vm9 =	vlt.f32 v61, $0.0e+00;
	v40 =	vsub.f32 v40, v34;
	v63 =	vsub.f32 $5.000000000e-01, v58  }
0xfe: {  	v55 =	vand.u32 $0x7FFFFFFF, v9;
	v4 =	vsub.f32 $5.000000000e-01, v59;
	v13 =	vsub.f32 $5.000000000e-01, v60  }
0xff: {  	vm8 =	vlt.f32 v9, $0.0e+00;
	v11 =	vsub.f32 $5.000000000e-01, v41;
	v6 =	vsub.f32 $5.000000000e-01, v62  }
0x100: {  	v58 =	vmul.f32 $1.600000000e+01, v58;
	v9 =	vor.u32 $0x4, v43;
	v59 =	vmul.f32 $1.600000000e+01, v59  }
0x101: {  	v60 =	vmul.f32 $1.600000000e+01, v60;
	v43 =	vor.u32 $0x3, v49;
	v41 =	vmul.f32 $1.600000000e+01, v41  }
0x102: {  	v62 =	vmul.f32 $1.600000000e+01, v62;
	v49 =	vmax.u32 v45, v35;
	v39 =	vand.u32 $0xFFFFFFF8, v39  }
0x103: {  	v48 =	vand.u32 $0xFFFFFFF8, v48;
	v61 =	vsel vm9, $0xBF800000, v10;
	v15 =	vsel vm8, $0xBF800000, v56  }
0x104: {  	[tilespmem:$0x1FDD0] =	vst v1;
	v56 =	vsub.f32 $5.000000000e-01, v55;
	v57 =	vand.u32 $0x7FFFFFF8, v55;
	v1 =	vsel vm8, $0x3F800000, v0  }
0x105: {  	v5 =	vsub.f32 $5.000000000e-01, v1;
	v8 =	vor.u32 $0x2, v57;
	v57 =	vor.u32 $0x7, v38  }
0x106: {  	v38 =	vadd.f32 v37, v42;
	v37 =	vand.u32 $0x7FFFFFFF, v40;
	v63 =	vadd.f32 v63, v26  }
0x107: {  	vm8 =	vlt.f32 v40, $0.0e+00;
	v40 =	vadd.f32 v13, v28;
	v13 =	vadd.f32 v11, v30  }
0x108: {  	v16 =	vadd.f32 v6, v31;
	v6 =	vor.u32 $0x6, v39;
	v39 =	vsub.f32 $5.000000000e-01, v2  }
0x109: {  	v7 =	vmul.f32 $1.600000000e+01, v1;
	v46 =	vadd.f32 v58, v46;
	v58 =	vadd.f32 v59, v50  }
0x10a: {  	v1 =	vmax.u32 v36, v9;
	v52 =	vadd.f32 v60, v52;
	v41 =	vadd.f32 v41, v53  }
0x10b: {  	v53 =	vadd.f32 v62, v54;
	v62 =	vsel vm9, $0x3F800000, v0;
	v42 =	vmax.u32 v43, v8  }
0x10c: {  	v51 =	vand.u32 $0xFFFFFFF8, v56;
	v56 =	vadd.f32 v4, v27;
	v11 =	vsel vm8, $0xBF800000, v10  }
0x10d: {  	v4 =	vand.u32 $0x7FFFFFF8, v2;
	v10 =	vor.u32 $0x3, v3;
	v60 =	vsel vm8, $0x3F800000, v0  }
0x10e: {  	vm8 =	vgt.s32 v57, v6;
	v54 =	vmul.f32 $1.600000000e+01, v62;
	v17 =	vadd.f32 v5, v29  }
0x10f: {  	v5 =	vmax.u32 v49, v1;
	v1 =	vand.u32 $0x7FFFFFF8, v37;
	v49 =	vor.u32 $0x5, v47  }
0x110: {  	v47 =	vor.u32 $0x4, v48;
	v48 =	vsub.f32 $5.000000000e-01, v37;
	v59 =	vsub.f32 $5.000000000e-01, v60  }
0x111: {  	v50 =	vor.u32 $0x2, v51;
	v7 =	vadd.f32 v7, v55;
	v55 =	vsub.f32 $5.000000000e-01, v62  }
0x112: {  	v38 =	vadd.f32 v38, v44;
	v51 =	vmul.f32 $1.600000000e+01, v60;
	v60 =	vsel vm8, v57, v6  }
0x113: {  	v39 =	vand.u32 $0xFFFFFFF8, v39;
	v58 =	vadd.f32 v58, v46;
	v41 =	vadd.f32 v41, v52  }
0x114: {  	v1 =	vor.u32 $0x1, v1;
	vm9 =	vgt.s32 v49, v47;
	vm10 =	vgt.s32 v10, v50  }
0x115: {  	v2 =	vadd.f32 v54, v2;
	v54 =	vimm.f32 $-8.388608000e+06;
	v44 =	vmax.u32 v1, v4  }
0x116: {  	v62 =	vsel vm9, v49, v47;
	v0 =	vsel vm10, v10, v50;
	v48 =	vand.u32 $0xFFFFFFF8, v48  }
0x117: {  	v7 =	vadd.f32 v7, v53;
	v46 =	vadd.f32 v59, v34;
	v59 =	vtrunc.f32 v38  }
0x118: {  	v37 =	vadd.f32 v51, v37;
	v41 =	vadd.f32 v41, v58;
	v42 =	vmax.u32 v42, v44  }
0x119: {  	v48 =	vor.u32 $0x1, v48;
	vm8 =	vgt.s32 v60, v62;
	v5 =	vmax.u32 v5, v42  }
0x11a: {  	v42 =	vcvt.f32.s32 v59;
	vm9 =	vgt.s32 v48, v39;
	v59 =	vsel vm8, v60, v62  }
0x11b: {  	v2 =	vadd.f32 v2, v37;
	vm10 =	veq.s32 v45, v5;
	vm11 =	veq.s32 v35, v5  }
0x11c: {  	vm12 =	veq.s32 v36, v5;
	vm13 =	veq.s32 v9, v5;
	vm14 =	veq.s32 v43, v5  }
0x11d: {  	vm15 =	veq.s32 v8, v5;
	vm0 =	veq.s32 v1, v5;
	vm1 =	veq.s32 v4, v5  }
0x11e: {  	v1 =	vsel vm9, v48, v39;
	v5 =	vand.u32 $0x7FFFFFF8, v5;
	v3 =	vand.u32 $0x1, v42  }
0x11f: {  	v2 =	vadd.f32 v2, v7;
	vm9 =	vgt.s32 v0, v1;
	vm8 =	veq.s32 v3, $0x1  }
0x120: {  	v0 =	vsel vm9, v0, v1;
	v1 =	vadd.f32 v5, v5;
	vm9 =	vmand vm10, vm8  }
0x121: {  	v2 =	vadd.f32 v2, v41;
	vm10 =	vmand vm11, vm8;
	vm11 =	vmand vm12, vm8  }
0x122: {  	vm12 =	vmand vm13, vm8;
	vm13 =	vmand vm14, vm8;
	vm14 =	vmand vm15, vm8  }
0x123: {  	vm0 =	vmand vm0, vm8;
	vm1 =	vmand vm1, vm8;
	v3 =	vmul.f32 $6.250000000e-02, v2  }
0x124: {  	vm15 =	vgt.s32 v59, v0;
	v1 =	vsub.f32 $1.000000000e+00, v1;
	v5 =	vnsel vm9, $0x0, v33  }
0x125: {  	v7 =	vnsel vm10, $0x0, v32;
	v8 =	vnsel vm11, $0x0, v25;
	v3 =	vtrunc.f32 v3  }
0x126: {  	v9 =	vnsel vm12, $0x0, v24;
	v60 =	vnsel vm13, $0x0, v14;
	v3 =	vcvt.f32.s32 v3  }
0x127: {  	v62 =	vnsel vm0, $0x0, v11;
	v0 =	vsel vm15, v59, v0;
	v5 =	vadd.f32 v5, v26  }
0x128: {  	v26 =	vnsel vm14, $0x0, v15;
	v7 =	vadd.f32 v7, v27;
	v3 =	vcvt.s32.f32 v3  }
0x129: {  	v8 =	vadd.f32 v8, v28;
	v9 =	vadd.f32 v9, v30;
	v28 =	vnsel vm1, $0x0, v61  }
0x12a: {  	vm0 =	veq.s32 v57, v0;
	vm1 =	veq.s32 v6, v0;
	v30 =	vsub.f32 v38, v3  }
0x12b: {  	vm9 =	veq.s32 v49, v0;
	vm10 =	veq.s32 v47, v0;
	v26 =	vadd.f32 v26, v29  }
0x12c: {  	v3 =	vmul.f32 $1.600000000e+01, v3;
	v29 =	vtrunc.f32 v30;
	v30 =	vand.u32 $0xFFFFFFF8, v0  }
0x12d: {  	vm11 =	veq.s32 v10, v0;
	v29 =	vcvt.f32.s32 v29;
	v30 =	vadd.f32 v30, v30  }
0x12e: {  	vm12 =	veq.s32 v50, v0;
	vm14 =	veq.s32 v39, v0;
	v2 =	vsub.f32 v2, v3  }
0x12f: {  	v1 =	vnsel vm8, $0x0, v1;
	v3 =	vand.u32 $0x1, v29;
	v4 =	vsub.f32 $1.000000000e+00, v30  }
0x130: {  	vm8 =	veq.s32 v48, v0;
	v1 =	vadd.f32 v2, v1;
	vm13 =	veq.s32 v3, $0x1  }
0x131: {  	v3 =	vnsel vm13, $0x0, v4;
	vm0 =	vmand vm0, vm13;
	vm1 =	vmand vm1, vm13  }
0x132: {  	vm9 =	vmand vm9, vm13;
	vm10 =	vmand vm10, vm13;
	v0 =	vsub.f32 v1, v3  }
0x133: {  	v1 =	vnsel vm0, $0x0, v33;
	vm0 =	vmand vm8, vm13;
	v2 =	vnsel vm1, $0x0, v32  }
0x134: {  	v3 =	vnsel vm10, $0x0, v24;
	vm8 =	vle.f32 v0, $2.000000000e+00;
	v0 =	vsub.f32 v56, v2  }
0x135: {  	v1 =	vsub.f32 v63, v1;
	v3 =	vsub.f32 v13, v3;
	v2 =	vnsel vm9, $0x0, v25  }
0x136: {  	v10 =	vld [tilespmem:$0x1FE00];
	vm11 =	vmand vm11, vm13;
	v2 =	vsub.f32 v40, v2;
	v0 =	vsel vm8, v7, v0  }
0x137: {  	v4 =	vnsel vm11, $0x0, v14;
	v1 =	vsel vm8, v5, v1;
	[tilespmem:s17+$0x2090] =	vst v0;
	v0 =	vsel vm8, v9, v3;
	v9 =	vld [tilespmem:$0x1FDF0]  }
0x138: {  	v27 =	vadd.f32 v60, v31;
	v25 =	vld [tilespmem:$0x1FDE0];
	[tilespmem:s17+$0x2010] =	vst v1;
	v1 =	vsel vm8, v8, v2;
	v2 =	vsub.f32 v16, v4  }
0x139: {  	v23 =	vld [tilespmem:s30+$0x0];
	v53 =	vimm.f32 $0.0e+00;
	v44 =	vadd.f32 v55, v12;
	vm12 =	vmand vm12, vm13  }
0x13a: {  	v6 =	vadd.f32 v62, v34;
	v4 =	vnsel vm12, $0x0, v15;
	v15 =	vld [tilespmem:$0x1FE20];
	[tilespmem:s17+$0x2110] =	vst v1;
	v1 =	vsel vm8, v27, v2  }
0x13b: {  	vm1 =	vmand vm14, vm13;
	v5 =	vsel vm3, $0x4B000000, v54;
	v3 =	vsub.f32 v17, v4;
	[tilespmem:s17+$0x2210] =	vst v1;
	v1 =	vld [tilespmem:$0x1FDB0]  }
0x13c: {  	v4 =	vnsel vm0, $0x0, v11;
	v11 =	vsel vm7, $0x4B000000, v54;
	v9 =	vsel vm6, v10, v9;
	v10 =	vld [tilespmem:$0x1FE10]  }
0x13d: {  	v24 =	vld [tilespmem:$0x1FE40];
	[tilespmem:s17+$0x2190] =	vst v0;
	v2 =	vsub.f32 v46, v4;
	v4 =	vnsel vm1, $0x0, v61;
	v8 =	vadd.f32 v5, v25  }
0x13e: {  	v0 =	vsel vm8, v26, v3;
	v3 =	vadd.f32 v28, v12;
	v4 =	vsub.f32 v44, v4;
	[tilespmem:s9+$0x2180] =	vst v9;
	v9 =	vld [tilespmem:$0x1FE30]  }
0x13f: {  	v16 =	vadd.f32 v11, v22;
	v2 =	vsel vm8, v6, v2;
	[tilespmem:s17+$0x2290] =	vst v0;
	v0 =	vld [tilespmem:$0x1FDC0];
	v6 =	vsel vm2, $0x4B000000, v54  }
0x140: {  	v8 =	vsub.f32 v8, v5;
	v3 =	vsel vm8, v3, v4;
	[tilespmem:s19+$0x2000] =	vst v2;
	v2 =	vsel vm4, $0x4B000000, v54  }
0x141: {  	v17 =	vld [tilespmem:$0x1FDD0];
	v4 =	vsel vm5, $0x4B000000, v54;
	vm0 =	vnez.u8 v1;
	v10 =	vsel vm6, v15, v10  }
0x142: {  	v13 =	vadd.f32 v2, v18;
	v14 =	vadd.f32 v4, v20;
	v1 =	vsel vm0, $0x4B000000, v54;
	[tilespmem:s9+$0x2200] =	vst v10;
	v10 =	vld [tilespmem:$0x1FE50]  }
0x143: {  	[tilespmem:s20+$0x2000] =	vst v3;
	vm0 =	vge.f32 v23, $0.0e+00;
	v15 =	vadd.f32 v6, v21;
	v9 =	vsel vm6, v24, v9;
	v24 =	vld [tilespmem:$0x1FE60]  }
0x144: {  	vm1 =	vnez.u8 v0;
	v3 =	vadd.f32 v1, v19;
	[tilespmem:s9+$0x2280] =	vst v9;
	v9 =	vsub.f32 v13, v2  }
0x145: {  	v0 =	vsel vm1, $0x4B000000, v54;
	v6 =	vsub.f32 v15, v6;
	v2 =	vsub.f32 v25, v8  }
0x146: {  	v12 =	vsel vm0, $0x4B000000, v54;
	v7 =	vadd.f32 v0, v17;
	v3 =	vsub.f32 v3, v1  }
0x147: {  	v1 =	vadd.f32 v12, v23;
	v21 =	vsub.f32 v21, v6;
	vm5 =	vlt.f32 v2, $0.0e+00  }
0x148: {  	v2 =	vand.u32 $0x7FFFFFFF, v2;
	v24 =	vsel vm6, v24, v10;
	v10 =	vsub.f32 v7, v0  }
0x149: {  	v5 =	vld [tilespmem:$0x1FE80];
	v42 =	vand.u32 $0x7FFFFFF8, v2;
	v7 =	vsub.f32 v14, v4;
	v4 =	vsub.f32 v1, v12  }
0x14a: {  	v0 =	vld [tilespmem:$0x1FE70];
	vm2 =	vlt.f32 v21, $0.0e+00;
	v21 =	vand.u32 $0x7FFFFFFF, v21;
	v33 =	vor.u32 $0x6, v42  }
0x14b: {  	v12 =	vsel vm2, $0x3F800000, v53;
	v1 =	vsub.f32 v17, v10;
	v20 =	vsub.f32 v20, v7  }
0x14c: {  	v23 =	vsub.f32 v23, v4;
	v17 =	vsel vm5, $0x3F800000, v53;
	v29 =	vmul.f32 $1.600000000e+01, v12  }
0x14d: {  	v45 =	vadd.f32 v8, v10;
	v46 =	vadd.f32 v7, v9;
	v26 =	vmul.f32 $1.600000000e+01, v17  }
0x14e: {  	vm7 =	vlt.f32 v1, $0.0e+00;
	vm1 =	vlt.f32 v20, $0.0e+00;
	vm0 =	vlt.f32 v23, $0.0e+00  }
0x14f: {  	[tilespmem:s10+$0x2000] =	vst v24;
	v1 =	vand.u32 $0x7FFFFFFF, v1;
	v20 =	vand.u32 $0x7FFFFFFF, v20;
	v0 =	vsel vm6, v5, v0  }
0x150: {  	v23 =	vand.u32 $0x7FFFFFFF, v23;
	v29 =	vadd.f32 v29, v21;
	[tilespmem:s11+$0x2000] =	vst v0;
	v0 =	vsub.f32 v19, v3  }
0x151: {  	v32 =	vadd.f32 v46, v45;
	v5 =	vsub.f32 v16, v11;
	v11 =	vimm.s32 $0x0  }
0x152: {  	v14 =	vsel vm7, $0x3F800000, v53;
	v16 =	vsel vm1, $0x3F800000, v53;
	vm6 =	vlt.f32 v0, $0.0e+00  }
0x153: {  	v26 =	vadd.f32 v26, v2;
	v44 =	vand.u32 $0x7FFFFFF8, v20;
	v11 =	vsel vm6, $0xFFFFFFFF, v11  }
0x154: {  	v2 =	vsub.f32 $5.000000000e-01, v2;
	v19 =	vsub.f32 v18, v9;
	[tilespmem:$0x1FEA0] =	vst v11;
	v11 =	vimm.s32 $0x0  }
0x155: {  	v24 =	vmul.f32 $1.600000000e+01, v14;
	v28 =	vmul.f32 $1.600000000e+01, v16;
	v11 =	vsel vm7, $0xFFFFFFFF, v11  }
0x156: {  	v35 =	vor.u32 $0x4, v44;
	v22 =	vsub.f32 v22, v5;
	[tilespmem:$0x1FEB0] =	vst v11;
	v11 =	vimm.s32 $0x0  }
0x157: {  	v2 =	vand.u32 $0xFFFFFFF8, v2;
	v47 =	vadd.f32 v5, v6;
	v11 =	vsel vm5, $0xFFFFFFFF, v11  }
0x158: {  	vm4 =	vlt.f32 v19, $0.0e+00;
	v0 =	vand.u32 $0x7FFFFFFF, v0;
	[tilespmem:$0x1FEC0] =	vst v11;
	v11 =	vimm.s32 $0x0  }
0x159: {  	v30 =	vand.u32 $0x7FFFFFFF, v19;
	v24 =	vadd.f32 v24, v1;
	v11 =	vsel vm4, $0xFFFFFFFF, v11  }
0x15a: {  	v28 =	vadd.f32 v28, v20;
	v20 =	vsub.f32 $5.000000000e-01, v20;
	[tilespmem:$0x1FED0] =	vst v11;
	v11 =	vimm.s32 $0x0  }
0x15b: {  	v2 =	vor.u32 $0x6, v2;
	vm3 =	vlt.f32 v22, $0.0e+00;
	v11 =	vsel vm1, $0xFFFFFFFF, v11  }
0x15c: {  	v18 =	vsel vm6, $0x3F800000, v53;
	v15 =	vsel vm4, $0x3F800000, v53;
	[tilespmem:$0x1FEE0] =	vst v11;
	v11 =	vimm.s32 $0x0  }
0x15d: {  	v22 =	vand.u32 $0x7FFFFFFF, v22;
	v41 =	vand.u32 $0x7FFFFFF8, v0;
	v11 =	vsel vm2, $0xFFFFFFFF, v11  }
0x15e: {  	v43 =	vand.u32 $0x7FFFFFF8, v30;
	v13 =	vsel vm3, $0x3F800000, v53;
	[tilespmem:$0x1FEF0] =	vst v11;
	v11 =	vimm.s32 $0x0  }
0x15f: {  	v25 =	vmul.f32 $1.600000000e+01, v18;
	v27 =	vmul.f32 $1.600000000e+01, v15;
	v11 =	vsel vm3, $0xFFFFFFFF, v11  }
0x160: {  	v24 =	vadd.f32 v26, v24;
	v20 =	vand.u32 $0xFFFFFFF8, v20;
	[tilespmem:$0x1FF00] =	vst v11;
	v11 =	vimm.s32 $0x0  }
0x161: {  	v34 =	vor.u32 $0x5, v43;
	v19 =	vmul.f32 $1.600000000e+01, v13;
	v11 =	vsel vm0, $0xFFFFFFFF, v11  }
0x162: {  	v20 =	vor.u32 $0x4, v20;
	v27 =	vadd.f32 v27, v30;
	[tilespmem:$0x1FF20] =	vst v11;
	v11 =	vsel vm0, $0x3F800000, v53  }
0x163: {  	v25 =	vadd.f32 v25, v0;
	v0 =	vsub.f32 $5.000000000e-01, v0;
	v31 =	vmul.f32 $1.600000000e+01, v11  }
0x164: {  	v55 =	vmax.u32 v34, v35;
	v19 =	vadd.f32 v19, v22;
	v26 =	vadd.f32 v28, v27  }
0x165: {  	v27 =	vand.u32 $0x7FFFFFF8, v21;
	v0 =	vand.u32 $0xFFFFFFF8, v0;
	v31 =	vadd.f32 v31, v23  }
0x166: {  	v21 =	vsub.f32 $5.000000000e-01, v21;
	v28 =	vadd.f32 v19, v29;
	v29 =	vand.u32 $0x7FFFFFF8, v22  }
0x167: {  	v19 =	vor.u32 $0x1, v41;
	v22 =	vsub.f32 $5.000000000e-01, v22;
	v25 =	vadd.f32 v31, v25  }
0x168: {  	v0 =	vor.u32 $0x1, v0;
	v24 =	vadd.f32 v26, v24;
	v26 =	vsub.f32 $5.000000000e-01, v30  }
0x169: {  	v27 =	vor.u32 $0x3, v27;
	v21 =	vand.u32 $0xFFFFFFF8, v21;
	v25 =	vadd.f32 v25, v28  }
0x16a: {  	v29 =	vor.u32 $0x2, v29;
	v22 =	vand.u32 $0xFFFFFFF8, v22;
	v26 =	vand.u32 $0xFFFFFFF8, v26  }
0x16b: {  	v21 =	vor.u32 $0x3, v21;
	v26 =	vor.u32 $0x5, v26;
	v24 =	vadd.f32 v25, v24  }
0x16c: {  	v58 =	vmax.u32 v27, v29;
	v22 =	vor.u32 $0x2, v22;
	vm2 =	vgt.s32 v26, v20  }
0x16d: {  	vm3 =	vgt.s32 v21, v22;
	v31 =	vadd.f32 v4, v3;
	v30 =	vmul.f32 $6.250000000e-02, v24  }
0x16e: {  	v50 =	vsel vm2, v26, v20;
	v51 =	vsel vm3, v21, v22;
	v28 =	vsub.f32 $5.000000000e-01, v23  }
0x16f: {  	v31 =	vadd.f32 v31, v47;
	v23 =	vand.u32 $0x7FFFFFF8, v23;
	v30 =	vtrunc.f32 v30  }
0x170: {  	v57 =	vmax.u32 v19, v23;
	v25 =	vsub.f32 $5.000000000e-01, v1;
	v30 =	vcvt.f32.s32 v30  }
0x171: {  	v28 =	vand.u32 $0xFFFFFFF8, v28;
	v1 =	vor.u32 $0x7, v1;
	v31 =	vadd.f32 v31, v32  }
0x172: {  	v59 =	vmax.u32 v58, v57;
	vm1 =	vgt.s32 v0, v28;
	v30 =	vcvt.s32.f32 v30  }
0x173: {  	v52 =	vmax.u32 v1, v33;
	v25 =	vor.u32 $0x7, v25;
	v48 =	vsel vm1, v0, v28  }
0x174: {  	v40 =	vmax.u32 v52, v55;
	vm0 =	vgt.s32 v25, v2;
	v60 =	vsub.f32 v31, v30  }
0x175: {  	vm4 =	vgt.s32 v51, v48;
	v32 =	vmax.u32 v40, v59;
	v49 =	vsel vm0, v25, v2  }
0x176: {  	v36 =	vsel vm4, v51, v48;
	vm5 =	vgt.s32 v49, v50;
	v38 =	vtrunc.f32 v60  }
0x177: {  	v37 =	vsel vm5, v49, v50;
	v30 =	vmul.f32 $1.600000000e+01, v30;
	v38 =	vcvt.f32.s32 v38  }
0x178: {  	vm1 =	veq.s32 v1, v32;
	v1 =	vimm.s32 $0x0;
	vm0 =	vgt.s32 v37, v36  }
0x179: {  	v36 =	vsel vm0, v37, v36;
	v24 =	vsub.f32 v24, v30;
	v30 =	vand.u32 $0x1, v38  }
0x17a: {  	v1 =	vsel vm1, $0xFFFFFFFF, v1;
	vm0 =	veq.s32 v25, v36;
	vm8 =	veq.s32 v30, $0x1  }
0x17b: {  	[tilespmem:$0x1FE90] =	vst v1;
	v1 =	vimm.s32 $0x0;
	vm0 =	vmand vm0, vm8  }
0x17c: {  	v61 =	vand.u32 $0x7FFFFFF8, v32;
	vm14 =	veq.s32 v2, v36;
	v1 =	vsel vm0, $0xFFFFFFFF, v1  }
0x17d: {  	vm10 =	veq.s32 v33, v32;
	vm14 =	vmand vm14, vm8;
	[tilespmem:$0x1FF10] =	vst v1;
	v1 =	vimm.s32 $0x0  }
0x17e: {  	v31 =	vtrunc.f32 v31;
	v62 =	vand.u32 $0xFFFFFFF8, v36;
	v1 =	vsel vm14, $0xFFFFFFFF, v1  }
0x17f: {  	v37 =	vadd.f32 v61, v61;
	v31 =	vcvt.f32.s32 v31;
	v39 =	vadd.f32 v62, v62;
	[tilespmem:$0x1FF30] =	vst v1;
	v1 =	vld [tilespmem:$0x1FE90]  }
0x180: {  	vm2 =	veq.s32 v26, v36;
	vm3 =	veq.s32 v20, v36;
	vm4 =	veq.s32 v21, v36  }
0x181: {  	vm5 =	veq.s32 v22, v36;
	v31 =	vand.u32 $0x1, v31;
	v63 =	vsub.f32 $1.000000000e+00, v39  }
0x182: {  	vm6 =	veq.s32 v0, v36;
	vm15 =	veq.s32 v28, v36;
	vm13 =	veq.s32 v31, $0x1  }
0x183: {  	vm10 =	vmand vm10, vm13;
	v0 =	vnsel vm8, $0x0, v63;
	vm2 =	vmand vm2, vm8  }
0x184: {  	vm3 =	vmand vm3, vm8;
	vm14 =	vnez.u8 v1;
	v1 =	vimm.s32 $0x0  }
0x185: {  	vm4 =	vmand vm4, vm8;
	vm5 =	vmand vm5, vm8;
	v1 =	vsel vm10, $0xFFFFFFFF, v1  }
0x186: {  	vm6 =	vmand vm6, vm8;
	vm8 =	vmand vm15, vm8;
	[tilespmem:$0x1FF40] =	vst v1;
	v1 =	vimm.s32 $0x0  }
0x187: {  	v1 =	vsel vm8, $0xFFFFFFFF, v1  }
0x188: {  	v37 =	vsub.f32 $1.000000000e+00, v37;
	[tilespmem:$0x1FF50] =	vst v1;
	v1 =	vld [tilespmem:$0x1FEA0]  }
0x189: {  	vm11 =	veq.s32 v34, v32;
	vm12 =	veq.s32 v35, v32;
	vm9 =	veq.s32 v29, v32  }
0x18a: {  	vm7 =	veq.s32 v19, v32;
	vm1 =	veq.s32 v27, v32;
	v31 =	vnsel vm13, $0x0, v37  }
0x18b: {  	vm15 =	vmand vm12, vm13;
	vm12 =	vmand vm7, vm13;
	vm0 =	veq.s32 v23, v32  }
0x18c: {  	vm14 =	vmand vm14, vm13;
	vm10 =	vmand vm1, vm13;
	vm8 =	vmand vm11, vm13  }
0x18d: {  	vm11 =	vmand vm9, vm13;
	vm13 =	vmand vm0, vm13;
	vm0 =	vnez.u8 v1;
	v1 =	vld [tilespmem:$0x1FEB0]  }
0x18e: {  	v2 =	vsub.f32 $5.000000000e-01, v11;
	v11 =	vld [tilespmem:$0x1FEC0];
	_ =	sdelay $0x2  }
0x18f: {  	v56 =	vimm.f32 $1.000000000e+00  }
0x190: {  	v27 =	vsel vm0, $0xBF800000, v56;
	vm0 =	vnez.u8 v1  }
0x191: {  	v1 =	vsel vm0, $0xBF800000, v56;
	vm0 =	vnez.u8 v11;
	v11 =	vld [tilespmem:$0x1FED0];
	_ =	sdelay $0x4  }
0x192: {  	v23 =	vsel vm0, $0xBF800000, v56;
	vm0 =	vnez.u8 v11;
	v11 =	vadd.f32 v2, v4;
	v2 =	vld [tilespmem:$0x1FEE0];
	_ =	sdelay $0x4  }
0x193: {  	v30 =	vsel vm0, $0xBF800000, v56;
	vm0 =	vnez.u8 v2;
	v2 =	vld [tilespmem:$0x1FEF0];
	_ =	sdelay $0x3  }
0x194: {  	v24 =	vadd.f32 v24, v31  }
0x195: {  	v33 =	vsel vm0, $0xBF800000, v56;
	vm0 =	vnez.u8 v2;
	v2 =	vld [tilespmem:$0x1FF00]  }
0x196: {  	v35 =	vsub.f32 v24, v0;
	v0 =	vld [tilespmem:$0x1FF10];
	_ =	sdelay $0x3  }
0x197: {  	v34 =	vsel vm0, $0xBF800000, v56;
	vm0 =	vnez.u8 v2  }
0x198: {  	v31 =	vsel vm0, $0xBF800000, v56;
	vm0 =	vnez.u8 v0;
	v0 =	vld [tilespmem:$0x1FF20];
	_ =	sdelay $0x4  }
0x199: {  	v28 =	vnsel vm0, $0x0, v1;
	vm0 =	vnez.u8 v0;
	v0 =	vld [tilespmem:$0x1FF30];
	_ =	sdelay $0x4  }
0x19a: {  	v32 =	vsel vm0, $0xBF800000, v56;
	vm0 =	vnez.u8 v0;
	v0 =	vld [tilespmem:$0x1FF40]  }
0x19b: {  	v17 =	vsub.f32 $5.000000000e-01, v17  }
0x19c: {  	v14 =	vsub.f32 $5.000000000e-01, v14;
	v18 =	vsub.f32 $5.000000000e-01, v18  }
0x19d: {  	v16 =	vsub.f32 $5.000000000e-01, v16;
	v15 =	vsub.f32 $5.000000000e-01, v15  }
0x19e: {  	v25 =	vsub.f32 $5.000000000e-01, v12;
	v12 =	vadd.f32 v18, v3  }
0x19f: {  	s12 =	sadd.s32 $0x2, s12;
	v18 =	vadd.f32 v15, v9;
	v15 =	vnsel vm4, $0x0, v34;
	vm4 =	vnez.u8 v0;
	v0 =	vld [tilespmem:$0x1FF50]  }
0x1a0: {  	p0 =	slt.u32 s12, $0x3E;
	v14 =	vadd.f32 v14, v10;
	v13 =	vsub.f32 $5.000000000e-01, v13  }
.Ltmp0:
0x1a1: {  	v22 =	vadd.f32 v17, v8;
	v21 =	vadd.f32 v16, v7;
	(pc) =	sbr.rel @p0 .LBB2_2-.Ltmp0, $4  }
0x1a2: {  	v20 =	vadd.f32 v13, v5;
	v19 =	vadd.f32 v25, v6  }
0x1a3: {  	v13 =	vnsel vm6, $0x0, v27;
	v24 =	vnsel vm14, $0x0, v1;
	v25 =	vnsel vm2, $0x0, v30  }
0x1a4: {  	s14 =	sadd.s32 $0x20, s14;
	s13 =	sadd.s32 $0x100, s13;
	v17 =	vnsel vm3, $0x0, v33;
	v16 =	vnsel vm5, $0x0, v31;
	vm5 =	vnez.u8 v0  }
0x1a5: {  	s9 =	smov.u32 s17;
	s10 =	smov.u32 s18;
	s11 =	smov.u32 s30;
	v29 =	vnsel vm0, $0x0, v23;
	v26 =	vnsel vm4, $0x0, v23;
	v23 =	vnsel vm5, $0x0, v32  }
0x1a6: {  	v0 =	vnsel vm8, $0x0, v30;
	v1 =	vnsel vm15, $0x0, v33  }
0x1a7: {  	v2 =	vnsel vm10, $0x0, v34;
	v51 =	vnsel vm11, $0x0, v31;
	v27 =	vnsel vm12, $0x0, v27  }
0x1a8: {  	v52 =	vnsel vm13, $0x0, v32;
	v14 =	vsub.f32 v14, v28;
	v10 =	vadd.f32 v24, v10  }
0x1a9: {  	vm0 =	vle.f32 v35, $2.000000000e+00;
	v22 =	vsub.f32 v22, v29;
	v8 =	vadd.f32 v26, v8  }
0x1aa: {  	v18 =	vsub.f32 v18, v25;
	v0 =	vadd.f32 v0, v9;
	v55 =	vsel vm0, v10, v14  }
0x1ab: {  	v57 =	vsub.f32 v21, v17;
	v1 =	vadd.f32 v1, v7;
	v58 =	vsel vm0, v8, v22;
	[tilespmem:s9+$0x2000] =	vst v55  }
0x1ac: {  	v59 =	vsub.f32 v19, v15;
	v2 =	vadd.f32 v2, v6;
	v0 =	vsel vm0, v0, v18;
	[tilespmem:s9+$0x2080] =	vst v58  }
0x1ad: {  	v60 =	vsub.f32 v20, v16;
	v5 =	vadd.f32 v51, v5;
	v61 =	vsel vm0, v1, v57;
	[tilespmem:s9+$0x2100] =	vst v0  }
0x1ae: {  	v62 =	vsub.f32 v12, v13;
	v3 =	vadd.f32 v27, v3;
	v2 =	vsel vm0, v2, v59;
	[tilespmem:s9+$0x2180] =	vst v61  }
0x1af: {  	v63 =	vsub.f32 v11, v23;
	v4 =	vadd.f32 v52, v4;
	v5 =	vsel vm0, v5, v60;
	[tilespmem:s9+$0x2200] =	vst v2  }
0x1b0: {  	s8 =	sadd.s32 $0x1, s8;
	v1 =	vsel vm0, v3, v62;
	[tilespmem:s9+$0x2280] =	vst v5  }
0x1b1: {  	p0 =	sne.s32 s8, s5;
	v0 =	vsel vm0, v4, v63;
	[tilespmem:s10+$0x2000] =	vst v1  }
.Ltmp1:
0x1b2: {  	[tilespmem:s11+$0x2000] =	vst v0;
	(pc) =	sbr.rel @p0 .LBB2_1-.Ltmp1, $4  }
0x1b3: {  	[hbm4b:s4+s2] =	stream.linear.scatter [tilespmem:s7], [sflag:$0x1], $0x2000, $0x38;
	[tilespmem:$0x4000] =	vst v63  }
0x1b4: {  	_ =	swait.ge [sflag:s6], $0x2000  }
0x1b5: {  	[sflag:s6] =	ssyncset.done $0x0  }
0x1b6: {  	[sflag:s6] =	ssyncadd.s32 $0xFFFFE000  }
0x1b7: {  	_ =	sfence.sel $0x180000  }
0x1b8: {  	[bflag:$0x0] =	sbarrier.arrive $0xFFFF  }
0x1b9: {  	p0 =	sne.s32 s1, $0x0;
	_ =	strace $0x90000047  }
0x1ba: {  	s0 =	sadd.s32 @!p0 $0x100000, s0;
	[bflag:$0x2] =	sbarrier.arrive $0xFFFF  }
0x1bb: {  	[sflag:s0] =	ssyncadd.tile.s32 @!p0 $0x1;
	_ =	shalt  }
.Lfunc_end2:
_tile_overlayer_lowered:
.L_overlay_start_2:
0x1bc: {  	(tag) =	ssettag $0x2  }
0x1bd: {  	s0 =	rddreg [dreg:$0x0];
	s2 =	stileid.u32  }
0x1be: {  	s1 =	rddreg [dreg:$0x1];
	p0 =	sne.s32 s2, $0x0  }
0x1bf: {  	s3 =	rddreg [dreg:$0x2];
	[bflag:$0x3] =	sbarrier.arrive $0xFFFF;
	s2 =	simm.s32 @!p0 $0x1C01  }
0x1c0: {  	[timem:s3], [sflag:s2] =	dma.local @!p0 [hbm:s0], s1  }
0x1c1: {  	s0 =	simm.s32 @!p0 $0x1  }
0x1c2: {  	_ =	swait.ge @!p0 [sflag:s0], s1  }
0x1c3: {  	s1 =	ssub.s32 @!p0 $0x0, s1;
	[sflag:s0] =	ssyncset.done @!p0 $0x0  }
0x1c4: {  	[sflag:s0] =	ssyncadd.s32 @!p0 s1  }
0x1c5: {  	[bflag:$0x3] =	sbarrier.arrive $0xFFFF  }
0x1c6: {  	_ =	shalt  }

</sc_bundles>
